<compile_context>
chip_gen: v7x
topology: tpu7x:2x2x1
jax: 0.10.2.dev20260603
libtpu: 0.0.44.dev20260713+nightly
codegen_flags: <defaults>
</compile_context>

<pallas_src>
import functools

import jax
import jax.numpy as jnp
from jax import lax
from jax.experimental import pallas as pl
from jax.experimental.pallas import tpu as pltpu
from jax.experimental.pallas import tpu_sc as plsc

BATCH = 4
SEQ = 4096
D_MODEL = 2048
NUM_WORKERS = 32
ROWS_PER_WORKER = BATCH * SEQ // NUM_WORKERS
SLABS_PER_BATCH = SEQ // ROWS_PER_WORKER

_mesh = plsc.VectorSubcoreMesh(core_axis_name="c", subcore_axis_name="s")


@functools.partial(
    pl.kernel,
    mesh=_mesh,
    out_type=jax.ShapeDtypeStruct((BATCH, SEQ, D_MODEL), jnp.float32),
    scratch_types=[
        pltpu.VMEM((2, D_MODEL), jnp.float32),
        pltpu.VMEM((ROWS_PER_WORKER,), jnp.int32),
        pltpu.SemaphoreType.DMA,
        pltpu.SemaphoreType.DMA,
    ],
)
def _embed_sc(x_hbm, table_hbm, out_hbm, table_v, idx_v, sem, stage_sem):
    wid = lax.axis_index("s") * 2 + lax.axis_index("c")
    b = wid // SLABS_PER_BATCH
    s0 = (wid % SLABS_PER_BATCH) * ROWS_PER_WORKER
    t_cp = pltpu.async_copy(table_hbm, table_v, stage_sem)
    i_cp = pltpu.async_copy(
        x_hbm.at[b, pl.ds(s0, ROWS_PER_WORKER)], idx_v, stage_sem
    )
    t_cp.wait()
    i_cp.wait()

    @pl.loop(0, ROWS_PER_WORKER // 16)
    def _groups(g):
        off = g * 16
        xv = idx_v[pl.ds(off, 16)]
        for l in range(16):
            pltpu.async_copy(
                table_v.at[xv[l]], out_hbm.at[b, s0 + off + l], sem
            )

    slab = out_hbm.at[b, pl.ds(s0, ROWS_PER_WORKER)]
    pltpu.make_async_copy(slab, slab, sem).wait()


def kernel(x, emb_weight):
    return _embed_sc(x.astype(jnp.int32), emb_weight)

# --- scband reference (transcript-rebuilt; emitter-appended) ---
"""Pipeline reference for scband-type-encoding-29626684408184 (READ-ONLY COPY).

The authoritative reference and input builder live on the scoring server;
editing this copy changes nothing except your own understanding.
"""

import jax, jax.numpy as jnp
import numpy as np

D_MODEL = 2048

def setup_inputs(seed: int = 0) -> dict:
    key = jax.random.key(seed)
    k_idx, k_emb = jax.random.split(key)
    x = jax.random.randint(k_idx, (4, 4096), 0, 2, dtype=jnp.int64) if jax.config.jax_enable_x64 else jax.random.randint(k_idx, (4, 4096), 0, 2, dtype=jnp.int32)
    emb_weight = jax.random.normal(k_emb, (2, D_MODEL), dtype=jnp.float32)
    return {"x": x, "emb_weight": emb_weight}

def reference(x, emb_weight):
    # nn.Embedding forward: gather rows of the table by index
    return jnp.take(emb_weight, x, axis=0)

if __name__ == "__main__":
    import jax
    _d = setup_inputs()
    print(jax.jit(kernel)(*tuple(_d.values())))

</pallas_src>

<mosaic_0001>
#map = affine_map<(d0, d1) -> (0, 0)>
#map1 = affine_map<(d0, d1) -> (0, 0, 0)>
module attributes {stable_mosaic.version = 14 : i64} {
  func.func @_embed_sc(%arg0: i32, %arg1: i32, %arg2: memref<4x4096xi32, #tpu.memory_space<hbm>>, %arg3: memref<2x2048xf32, #tpu.memory_space<hbm>>, %arg4: memref<4x4096x2048xf32, #tpu.memory_space<hbm>>, %arg5: memref<2x2048xf32, #tpu.memory_space<vmem>>, %arg6: memref<512xi32, #tpu.memory_space<vmem>>, %arg7: memref<!tpu.dma_semaphore, #tpu.memory_space<semaphore_mem>>, %arg8: memref<!tpu.dma_semaphore, #tpu.memory_space<semaphore_mem>>) attributes {dimension_semantics = [#tpu.dimension_semantics<core_parallel>, #tpu.dimension_semantics<subcore_parallel>], iteration_bounds = array<i64: 2, 16>, scalar_prefetch = 0 : i64, scratch_operands = 4 : i64, tpu.core_type = #tpu.core_type<sc_vector_subcore>, window_params = [{transform_indices = #map}, {transform_indices = #map}, {transform_indices = #map1}]} {
    %mul3A = arith.constant 2 : i32
    %mul3A_0 = arith.muli %arg1, %mul3A : i32
    %add3A = arith.addi %mul3A_0, %arg0 : i32
    %jit3A = arith.constant 8 : i32
    %div3A = arith.divsi %add3A, %jit3A : i32
    %sign3A = arith.constant 0 : i32
    %sign3A_1 = arith.cmpi sgt, %add3A, %sign3A : i32
    %sign3A_2 = arith.extui %sign3A_1 : i1 to i32
    %sign3A_3 = arith.constant 0 : i32
    %sign3A_4 = arith.cmpi slt, %add3A, %sign3A_3 : i32
    %sign3A_5 = arith.extui %sign3A_4 : i1 to i32
    %sign3A_6 = arith.subi %sign3A_2, %sign3A_5 : i32
    %sign3A_7 = arith.constant 0 : i32
    %sign3A_8 = arith.cmpi sgt, %jit3A, %sign3A_7 : i32
    %sign3A_9 = arith.extui %sign3A_8 : i1 to i32
    %sign3A_10 = arith.constant 0 : i32
    %sign3A_11 = arith.cmpi slt, %jit3A, %sign3A_10 : i32
    %sign3A_12 = arith.extui %sign3A_11 : i1 to i32
    %sign3A_13 = arith.subi %sign3A_9, %sign3A_12 : i32
    %ne3A = arith.cmpi ne, %sign3A_6, %sign3A_13 : i32
    %rem3A = arith.remsi %add3A, %jit3A : i32
    %ne3A_14 = arith.constant 0 : i32
    %ne3A_15 = arith.cmpi ne, %rem3A, %ne3A_14 : i32
    %and3A = arith.andi %ne3A, %ne3A_15 : i1
    %sub3A = arith.constant 1 : i32
    %sub3A_16 = arith.subi %div3A, %sub3A : i32
    %select_n3A = arith.select %and3A, %sub3A_16, %div3A : i32
    %jit3A_17 = arith.constant 8 : i32
    %eq3A = arith.constant 0 : i32
    %eq3A_18 = arith.cmpi eq, %jit3A_17, %eq3A : i32
    %jit3A_19 = arith.constant 1 : i32
    %select_n3A_20 = arith.select %eq3A_18, %jit3A_19, %jit3A_17 : i32
    %rem3A_21 = arith.remsi %add3A, %select_n3A_20 : i32
    %ne3A_22 = arith.constant 0 : i32
    %ne3A_23 = arith.cmpi ne, %rem3A_21, %ne3A_22 : i32
    %lt3A = arith.constant 0 : i32
    %lt3A_24 = arith.cmpi slt, %rem3A_21, %lt3A : i32
    %lt3A_25 = arith.constant 0 : i32
    %lt3A_26 = arith.cmpi slt, %select_n3A_20, %lt3A_25 : i32
    %ne3A_27 = arith.xori %lt3A_24, %lt3A_26 : i1
    %and3A_28 = arith.andi %ne3A_27, %ne3A_23 : i1
    %add3A_29 = arith.addi %rem3A_21, %select_n3A_20 : i32
    %select_n3A_30 = arith.select %and3A_28, %add3A_29, %rem3A_21 : i32
    %mul3A_31 = arith.constant 512 : i32
    %mul3A_32 = arith.muli %select_n3A_30, %mul3A_31 : i32
    tpu.enqueue_dma source(%arg3 : memref<2x2048xf32, #tpu.memory_space<hbm>>) target(%arg5 : memref<2x2048xf32, #tpu.memory_space<vmem>>) target_semaphore(%arg8 : memref<!tpu.dma_semaphore, #tpu.memory_space<semaphore_mem>>)
    %dma_start3A = tpu.memref_slice %arg2[%select_n3A, %mul3A_32] : memref<4x4096xi32, #tpu.memory_space<hbm>> -> memref<1x512xi32, #tpu.memory_space<hbm>>
    %dma_start3A_33 = tpu.memref_squeeze %dma_start3A : memref<1x512xi32, #tpu.memory_space<hbm>> -> memref<512xi32, #tpu.memory_space<hbm>>
    %dma_start3A_34 = tpu.memref_slice %arg2[%select_n3A, %mul3A_32] : memref<4x4096xi32, #tpu.memory_space<hbm>> -> memref<1x512xi32, #tpu.memory_space<hbm>>
    %dma_start3A_35 = tpu.memref_squeeze %dma_start3A_34 : memref<1x512xi32, #tpu.memory_space<hbm>> -> memref<512xi32, #tpu.memory_space<hbm>>
    tpu.enqueue_dma source(%dma_start3A_35 : memref<512xi32, #tpu.memory_space<hbm>>) target(%arg6 : memref<512xi32, #tpu.memory_space<vmem>>) target_semaphore(%arg8 : memref<!tpu.dma_semaphore, #tpu.memory_space<semaphore_mem>>)
    tpu.wait_dma2 semaphore(%arg8 : memref<!tpu.dma_semaphore, #tpu.memory_space<semaphore_mem>>) src(%arg3 : memref<2x2048xf32, #tpu.memory_space<hbm>>) dst(%arg5 : memref<2x2048xf32, #tpu.memory_space<vmem>>)
    %dma_wait3A = tpu.memref_slice %arg2[%select_n3A, %mul3A_32] : memref<4x4096xi32, #tpu.memory_space<hbm>> -> memref<1x512xi32, #tpu.memory_space<hbm>>
    %dma_wait3A_36 = tpu.memref_squeeze %dma_wait3A : memref<1x512xi32, #tpu.memory_space<hbm>> -> memref<512xi32, #tpu.memory_space<hbm>>
    %dma_wait3A_37 = tpu.memref_slice %arg2[%select_n3A, %mul3A_32] : memref<4x4096xi32, #tpu.memory_space<hbm>> -> memref<1x512xi32, #tpu.memory_space<hbm>>
    %dma_wait3A_38 = tpu.memref_squeeze %dma_wait3A_37 : memref<1x512xi32, #tpu.memory_space<hbm>> -> memref<512xi32, #tpu.memory_space<hbm>>
    tpu.wait_dma2 semaphore(%arg8 : memref<!tpu.dma_semaphore, #tpu.memory_space<semaphore_mem>>) src(%dma_wait3A_38 : memref<512xi32, #tpu.memory_space<hbm>>) dst(%arg6 : memref<512xi32, #tpu.memory_space<vmem>>)
    %scan3A = arith.constant 0 : i32
    %scan3A_39 = arith.constant 32 : i32
    %scan3A_40 = arith.addi %scan3A, %scan3A_39 : i32
    %scan3A_41 = arith.constant 1 : i32
    scf.for %scan3A_49 = %scan3A to %scan3A_40 step %scan3A_41  : i32 {
      %mul3A_50 = arith.constant 1 : i32
      %mul3A_51 = arith.muli %scan3A_49, %mul3A_50 : i32
      %add3A_52 = arith.constant 0 : i32
      %add3A_53 = arith.addi %add3A_52, %mul3A_51 : i32
      %mul3A_54 = arith.constant 16 : i32
      %mul3A_55 = arith.muli %add3A_53, %mul3A_54 : i32
      %get3A = arith.index_cast %mul3A_55 : i32 to index
      %get3A_56 = tpu.vector_load %arg6[%get3A] {strides = array<i32>} : memref<512xi32, #tpu.memory_space<vmem>>, vector<16xi32>,
      %get3A_57 = vector.shape_cast %get3A_56 : vector<16xi32> to vector<16xi32>
      %slice3A = vector.extract_strided_slice %get3A_57 {offsets = [0], sizes = [1], strides = [1]} : vector<16xi32> to vector<1xi32>
      %squeeze3A = vector.extract %slice3A[0] : i32 from vector<1xi32>
      %add3A_58 = arith.addi %mul3A_32, %mul3A_55 : i32
      %add3A_59 = arith.constant 0 : i32
      %add3A_60 = arith.addi %add3A_58, %add3A_59 : i32
      %dma_start3A_61 = arith.constant 0 : i32
      %dma_start3A_62 = tpu.memref_slice %arg5[%squeeze3A, %dma_start3A_61] : memref<2x2048xf32, #tpu.memory_space<vmem>> -> memref<1x2048xf32, #tpu.memory_space<vmem>>
      %dma_start3A_63 = tpu.memref_squeeze %dma_start3A_62 : memref<1x2048xf32, #tpu.memory_space<vmem>> -> memref<2048xf32, #tpu.memory_space<vmem>>
      %dma_start3A_64 = arith.constant 0 : i32
      %dma_start3A_65 = tpu.memref_slice %arg4[%select_n3A, %add3A_60, %dma_start3A_64] : memref<4x4096x2048xf32, #tpu.memory_space<hbm>> -> memref<1x1x2048xf32, #tpu.memory_space<hbm>>
      %dma_start3A_66 = tpu.memref_squeeze %dma_start3A_65 : memref<1x1x2048xf32, #tpu.memory_space<hbm>> -> memref<2048xf32, #tpu.memory_space<hbm>>
      %dma_start3A_67 = arith.constant 0 : i32
      %dma_start3A_68 = tpu.memref_slice %arg4[%select_n3A, %add3A_60, %dma_start3A_67] : memref<4x4096x2048xf32, #tpu.memory_space<hbm>> -> memref<1x1x2048xf32, #tpu.memory_space<hbm>>
      %dma_start3A_69 = tpu.memref_squeeze %dma_start3A_68 : memref<1x1x2048xf32, #tpu.memory_space<hbm>> -> memref<2048xf32, #tpu.memory_space<hbm>>
      %dma_start3A_70 = arith.constant 0 : i32
      %dma_start3A_71 = tpu.memref_slice %arg5[%squeeze3A, %dma_start3A_70] : memref<2x2048xf32, #tpu.memory_space<vmem>> -> memref<1x2048xf32, #tpu.memory_space<vmem>>
      %dma_start3A_72 = tpu.memref_squeeze %dma_start3A_71 : memref<1x2048xf32, #tpu.memory_space<vmem>> -> memref<2048xf32, #tpu.memory_space<vmem>>
      tpu.enqueue_dma source(%dma_start3A_72 : memref<2048xf32, #tpu.memory_space<vmem>>) target(%dma_start3A_69 : memref<2048xf32, #tpu.memory_space<hbm>>) target_semaphore(%arg7 : memref<!tpu.dma_semaphore, #tpu.memory_space<semaphore_mem>>)
      %slice3A_73 = vector.extract_strided_slice %get3A_57 {offsets = [1], sizes = [1], strides = [1]} : vector<16xi32> to vector<1xi32>
      %squeeze3A_74 = vector.extract %slice3A_73[0] : i32 from vector<1xi32>
      %add3A_75 = arith.addi %mul3A_32, %mul3A_55 : i32
      %add3A_76 = arith.constant 1 : i32
      %add3A_77 = arith.addi %add3A_75, %add3A_76 : i32
      %dma_start3A_78 = arith.constant 0 : i32
      %dma_start3A_79 = tpu.memref_slice %arg5[%squeeze3A_74, %dma_start3A_78] : memref<2x2048xf32, #tpu.memory_space<vmem>> -> memref<1x2048xf32, #tpu.memory_space<vmem>>
      %dma_start3A_80 = tpu.memref_squeeze %dma_start3A_79 : memref<1x2048xf32, #tpu.memory_space<vmem>> -> memref<2048xf32, #tpu.memory_space<vmem>>
      %dma_start3A_81 = arith.constant 0 : i32
      %dma_start3A_82 = tpu.memref_slice %arg4[%select_n3A, %add3A_77, %dma_start3A_81] : memref<4x4096x2048xf32, #tpu.memory_space<hbm>> -> memref<1x1x2048xf32, #tpu.memory_space<hbm>>
      %dma_start3A_83 = tpu.memref_squeeze %dma_start3A_82 : memref<1x1x2048xf32, #tpu.memory_space<hbm>> -> memref<2048xf32, #tpu.memory_space<hbm>>
      %dma_start3A_84 = arith.constant 0 : i32
      %dma_start3A_85 = tpu.memref_slice %arg4[%select_n3A, %add3A_77, %dma_start3A_84] : memref<4x4096x2048xf32, #tpu.memory_space<hbm>> -> memref<1x1x2048xf32, #tpu.memory_space<hbm>>
      %dma_start3A_86 = tpu.memref_squeeze %dma_start3A_85 : memref<1x1x2048xf32, #tpu.memory_space<hbm>> -> memref<2048xf32, #tpu.memory_space<hbm>>
      %dma_start3A_87 = arith.constant 0 : i32
      %dma_start3A_88 = tpu.memref_slice %arg5[%squeeze3A_74, %dma_start3A_87] : memref<2x2048xf32, #tpu.memory_space<vmem>> -> memref<1x2048xf32, #tpu.memory_space<vmem>>
      %dma_start3A_89 = tpu.memref_squeeze %dma_start3A_88 : memref<1x2048xf32, #tpu.memory_space<vmem>> -> memref<2048xf32, #tpu.memory_space<vmem>>
      tpu.enqueue_dma source(%dma_start3A_89 : memref<2048xf32, #tpu.memory_space<vmem>>) target(%dma_start3A_86 : memref<2048xf32, #tpu.memory_space<hbm>>) target_semaphore(%arg7 : memref<!tpu.dma_semaphore, #tpu.memory_space<semaphore_mem>>)
      %slice3A_90 = vector.extract_strided_slice %get3A_57 {offsets = [2], sizes = [1], strides = [1]} : vector<16xi32> to vector<1xi32>
      %squeeze3A_91 = vector.extract %slice3A_90[0] : i32 from vector<1xi32>
      %add3A_92 = arith.addi %mul3A_32, %mul3A_55 : i32
      %add3A_93 = arith.constant 2 : i32
      %add3A_94 = arith.addi %add3A_92, %add3A_93 : i32
      %dma_start3A_95 = arith.constant 0 : i32
      %dma_start3A_96 = tpu.memref_slice %arg5[%squeeze3A_91, %dma_start3A_95] : memref<2x2048xf32, #tpu.memory_space<vmem>> -> memref<1x2048xf32, #tpu.memory_space<vmem>>
      %dma_start3A_97 = tpu.memref_squeeze %dma_start3A_96 : memref<1x2048xf32, #tpu.memory_space<vmem>> -> memref<2048xf32, #tpu.memory_space<vmem>>
      %dma_start3A_98 = arith.constant 0 : i32
      %dma_start3A_99 = tpu.memref_slice %arg4[%select_n3A, %add3A_94, %dma_start3A_98] : memref<4x4096x2048xf32, #tpu.memory_space<hbm>> -> memref<1x1x2048xf32, #tpu.memory_space<hbm>>
      %dma_start3A_100 = tpu.memref_squeeze %dma_start3A_99 : memref<1x1x2048xf32, #tpu.memory_space<hbm>> -> memref<2048xf32, #tpu.memory_space<hbm>>
      %dma_start3A_101 = arith.constant 0 : i32
      %dma_start3A_102 = tpu.memref_slice %arg4[%select_n3A, %add3A_94, %dma_start3A_101] : memref<4x4096x2048xf32, #tpu.memory_space<hbm>> -> memref<1x1x2048xf32, #tpu.memory_space<hbm>>
      %dma_start3A_103 = tpu.memref_squeeze %dma_start3A_102 : memref<1x1x2048xf32, #tpu.memory_space<hbm>> -> memref<2048xf32, #tpu.memory_space<hbm>>
      %dma_start3A_104 = arith.constant 0 : i32
      %dma_start3A_105 = tpu.memref_slice %arg5[%squeeze3A_91, %dma_start3A_104] : memref<2x2048xf32, #tpu.memory_space<vmem>> -> memref<1x2048xf32, #tpu.memory_space<vmem>>
      %dma_start3A_106 = tpu.memref_squeeze %dma_start3A_105 : memref<1x2048xf32, #tpu.memory_space<vmem>> -> memref<2048xf32, #tpu.memory_space<vmem>>
      tpu.enqueue_dma source(%dma_start3A_106 : memref<2048xf32, #tpu.memory_space<vmem>>) target(%dma_start3A_103 : memref<2048xf32, #tpu.memory_space<hbm>>) target_semaphore(%arg7 : memref<!tpu.dma_semaphore, #tpu.memory_space<semaphore_mem>>)
      %slice3A_107 = vector.extract_strided_slice %get3A_57 {offsets = [3], sizes = [1], strides = [1]} : vector<16xi32> to vector<1xi32>
      %squeeze3A_108 = vector.extract %slice3A_107[0] : i32 from vector<1xi32>
      %add3A_109 = arith.addi %mul3A_32, %mul3A_55 : i32
      %add3A_110 = arith.constant 3 : i32
      %add3A_111 = arith.addi %add3A_109, %add3A_110 : i32
      %dma_start3A_112 = arith.constant 0 : i32
      %dma_start3A_113 = tpu.memref_slice %arg5[%squeeze3A_108, %dma_start3A_112] : memref<2x2048xf32, #tpu.memory_space<vmem>> -> memref<1x2048xf32, #tpu.memory_space<vmem>>
      %dma_start3A_114 = tpu.memref_squeeze %dma_start3A_113 : memref<1x2048xf32, #tpu.memory_space<vmem>> -> memref<2048xf32, #tpu.memory_space<vmem>>
      %dma_start3A_115 = arith.constant 0 : i32
      %dma_start3A_116 = tpu.memref_slice %arg4[%select_n3A, %add3A_111, %dma_start3A_115] : memref<4x4096x2048xf32, #tpu.memory_space<hbm>> -> memref<1x1x2048xf32, #tpu.memory_space<hbm>>
      %dma_start3A_117 = tpu.memref_squeeze %dma_start3A_116 : memref<1x1x2048xf32, #tpu.memory_space<hbm>> -> memref<2048xf32, #tpu.memory_space<hbm>>
      %dma_start3A_118 = arith.constant 0 : i32
      %dma_start3A_119 = tpu.memref_slice %arg4[%select_n3A, %add3A_111, %dma_start3A_118] : memref<4x4096x2048xf32, #tpu.memory_space<hbm>> -> memref<1x1x2048xf32, #tpu.memory_space<hbm>>
      %dma_start3A_120 = tpu.memref_squeeze %dma_start3A_119 : memref<1x1x2048xf32, #tpu.memory_space<hbm>> -> memref<2048xf32, #tpu.memory_space<hbm>>
      %dma_start3A_121 = arith.constant 0 : i32
      %dma_start3A_122 = tpu.memref_slice %arg5[%squeeze3A_108, %dma_start3A_121] : memref<2x2048xf32, #tpu.memory_space<vmem>> -> memref<1x2048xf32, #tpu.memory_space<vmem>>
      %dma_start3A_123 = tpu.memref_squeeze %dma_start3A_122 : memref<1x2048xf32, #tpu.memory_space<vmem>> -> memref<2048xf32, #tpu.memory_space<vmem>>
      tpu.enqueue_dma source(%dma_start3A_123 : memref<2048xf32, #tpu.memory_space<vmem>>) target(%dma_start3A_120 : memref<2048xf32, #tpu.memory_space<hbm>>) target_semaphore(%arg7 : memref<!tpu.dma_semaphore, #tpu.memory_space<semaphore_mem>>)
      %slice3A_124 = vector.extract_strided_slice %get3A_57 {offsets = [4], sizes = [1], strides = [1]} : vector<16xi32> to vector<1xi32>
      %squeeze3A_125 = vector.extract %slice3A_124[0] : i32 from vector<1xi32>
      %add3A_126 = arith.addi %mul3A_32, %mul3A_55 : i32
      %add3A_127 = arith.constant 4 : i32
      %add3A_128 = arith.addi %add3A_126, %add3A_127 : i32
      %dma_start3A_129 = arith.constant 0 : i32
      %dma_start3A_130 = tpu.memref_slice %arg5[%squeeze3A_125, %dma_start3A_129] : memref<2x2048xf32, #tpu.memory_space<vmem>> -> memref<1x2048xf32, #tpu.memory_space<vmem>>
      %dma_start3A_131 = tpu.memref_squeeze %dma_start3A_130 : memref<1x2048xf32, #tpu.memory_space<vmem>> -> memref<2048xf32, #tpu.memory_space<vmem>>
      %dma_start3A_132 = arith.constant 0 : i32
      %dma_start3A_133 = tpu.memref_slice %arg4[%select_n3A, %add3A_128, %dma_start3A_132] : memref<4x4096x2048xf32, #tpu.memory_space<hbm>> -> memref<1x1x2048xf32, #tpu.memory_space<hbm>>
      %dma_start3A_134 = tpu.memref_squeeze %dma_start3A_133 : memref<1x1x2048xf32, #tpu.memory_space<hbm>> -> memref<2048xf32, #tpu.memory_space<hbm>>
      %dma_start3A_135 = arith.constant 0 : i32
      %dma_start3A_136 = tpu.memref_slice %arg4[%select_n3A, %add3A_128, %dma_start3A_135] : memref<4x4096x2048xf32, #tpu.memory_space<hbm>> -> memref<1x1x2048xf32, #tpu.memory_space<hbm>>
      %dma_start3A_137 = tpu.memref_squeeze %dma_start3A_136 : memref<1x1x2048xf32, #tpu.memory_space<hbm>> -> memref<2048xf32, #tpu.memory_space<hbm>>
      %dma_start3A_138 = arith.constant 0 : i32
      %dma_start3A_139 = tpu.memref_slice %arg5[%squeeze3A_125, %dma_start3A_138] : memref<2x2048xf32, #tpu.memory_space<vmem>> -> memref<1x2048xf32, #tpu.memory_space<vmem>>
      %dma_start3A_140 = tpu.memref_squeeze %dma_start3A_139 : memref<1x2048xf32, #tpu.memory_space<vmem>> -> memref<2048xf32, #tpu.memory_space<vmem>>
      tpu.enqueue_dma source(%dma_start3A_140 : memref<2048xf32, #tpu.memory_space<vmem>>) target(%dma_start3A_137 : memref<2048xf32, #tpu.memory_space<hbm>>) target_semaphore(%arg7 : memref<!tpu.dma_semaphore, #tpu.memory_space<semaphore_mem>>)
      %slice3A_141 = vector.extract_strided_slice %get3A_57 {offsets = [5], sizes = [1], strides = [1]} : vector<16xi32> to vector<1xi32>
      %squeeze3A_142 = vector.extract %slice3A_141[0] : i32 from vector<1xi32>
      %add3A_143 = arith.addi %mul3A_32, %mul3A_55 : i32
      %add3A_144 = arith.constant 5 : i32
      %add3A_145 = arith.addi %add3A_143, %add3A_144 : i32
      %dma_start3A_146 = arith.constant 0 : i32
      %dma_start3A_147 = tpu.memref_slice %arg5[%squeeze3A_142, %dma_start3A_146] : memref<2x2048xf32, #tpu.memory_space<vmem>> -> memref<1x2048xf32, #tpu.memory_space<vmem>>
      %dma_start3A_148 = tpu.memref_squeeze %dma_start3A_147 : memref<1x2048xf32, #tpu.memory_space<vmem>> -> memref<2048xf32, #tpu.memory_space<vmem>>
      %dma_start3A_149 = arith.constant 0 : i32
      %dma_start3A_150 = tpu.memref_slice %arg4[%select_n3A, %add3A_145, %dma_start3A_149] : memref<4x4096x2048xf32, #tpu.memory_space<hbm>> -> memref<1x1x2048xf32, #tpu.memory_space<hbm>>
      %dma_start3A_151 = tpu.memref_squeeze %dma_start3A_150 : memref<1x1x2048xf32, #tpu.memory_space<hbm>> -> memref<2048xf32, #tpu.memory_space<hbm>>
      %dma_start3A_152 = arith.constant 0 : i32
      %dma_start3A_153 = tpu.memref_slice %arg4[%select_n3A, %add3A_145, %dma_start3A_152] : memref<4x4096x2048xf32, #tpu.memory_space<hbm>> -> memref<1x1x2048xf32, #tpu.memory_space<hbm>>
      %dma_start3A_154 = tpu.memref_squeeze %dma_start3A_153 : memref<1x1x2048xf32, #tpu.memory_space<hbm>> -> memref<2048xf32, #tpu.memory_space<hbm>>
      %dma_start3A_155 = arith.constant 0 : i32
      %dma_start3A_156 = tpu.memref_slice %arg5[%squeeze3A_142, %dma_start3A_155] : memref<2x2048xf32, #tpu.memory_space<vmem>> -> memref<1x2048xf32, #tpu.memory_space<vmem>>
      %dma_start3A_157 = tpu.memref_squeeze %dma_start3A_156 : memref<1x2048xf32, #tpu.memory_space<vmem>> -> memref<2048xf32, #tpu.memory_space<vmem>>
      tpu.enqueue_dma source(%dma_start3A_157 : memref<2048xf32, #tpu.memory_space<vmem>>) target(%dma_start3A_154 : memref<2048xf32, #tpu.memory_space<hbm>>) target_semaphore(%arg7 : memref<!tpu.dma_semaphore, #tpu.memory_space<semaphore_mem>>)
      %slice3A_158 = vector.extract_strided_slice %get3A_57 {offsets = [6], sizes = [1], strides = [1]} : vector<16xi32> to vector<1xi32>
      %squeeze3A_159 = vector.extract %slice3A_158[0] : i32 from vector<1xi32>
      %add3A_160 = arith.addi %mul3A_32, %mul3A_55 : i32
      %add3A_161 = arith.constant 6 : i32
      %add3A_162 = arith.addi %add3A_160, %add3A_161 : i32
      %dma_start3A_163 = arith.constant 0 : i32
      %dma_start3A_164 = tpu.memref_slice %arg5[%squeeze3A_159, %dma_start3A_163] : memref<2x2048xf32, #tpu.memory_space<vmem>> -> memref<1x2048xf32, #tpu.memory_space<vmem>>
      %dma_start3A_165 = tpu.memref_squeeze %dma_start3A_164 : memref<1x2048xf32, #tpu.memory_space<vmem>> -> memref<2048xf32, #tpu.memory_space<vmem>>
      %dma_start3A_166 = arith.constant 0 : i32
      %dma_start3A_167 = tpu.memref_slice %arg4[%select_n3A, %add3A_162, %dma_start3A_166] : memref<4x4096x2048xf32, #tpu.memory_space<hbm>> -> memref<1x1x2048xf32, #tpu.memory_space<hbm>>
      %dma_start3A_168 = tpu.memref_squeeze %dma_start3A_167 : memref<1x1x2048xf32, #tpu.memory_space<hbm>> -> memref<2048xf32, #tpu.memory_space<hbm>>
      %dma_start3A_169 = arith.constant 0 : i32
      %dma_start3A_170 = tpu.memref_slice %arg4[%select_n3A, %add3A_162, %dma_start3A_169] : memref<4x4096x2048xf32, #tpu.memory_space<hbm>> -> memref<1x1x2048xf32, #tpu.memory_space<hbm>>
      %dma_start3A_171 = tpu.memref_squeeze %dma_start3A_170 : memref<1x1x2048xf32, #tpu.memory_space<hbm>> -> memref<2048xf32, #tpu.memory_space<hbm>>
      %dma_start3A_172 = arith.constant 0 : i32
      %dma_start3A_173 = tpu.memref_slice %arg5[%squeeze3A_159, %dma_start3A_172] : memref<2x2048xf32, #tpu.memory_space<vmem>> -> memref<1x2048xf32, #tpu.memory_space<vmem>>
      %dma_start3A_174 = tpu.memref_squeeze %dma_start3A_173 : memref<1x2048xf32, #tpu.memory_space<vmem>> -> memref<2048xf32, #tpu.memory_space<vmem>>
      tpu.enqueue_dma source(%dma_start3A_174 : memref<2048xf32, #tpu.memory_space<vmem>>) target(%dma_start3A_171 : memref<2048xf32, #tpu.memory_space<hbm>>) target_semaphore(%arg7 : memref<!tpu.dma_semaphore, #tpu.memory_space<semaphore_mem>>)
      %slice3A_175 = vector.extract_strided_slice %get3A_57 {offsets = [7], sizes = [1], strides = [1]} : vector<16xi32> to vector<1xi32>
      %squeeze3A_176 = vector.extract %slice3A_175[0] : i32 from vector<1xi32>
      %add3A_177 = arith.addi %mul3A_32, %mul3A_55 : i32
      %add3A_178 = arith.constant 7 : i32
      %add3A_179 = arith.addi %add3A_177, %add3A_178 : i32
      %dma_start3A_180 = arith.constant 0 : i32
      %dma_start3A_181 = tpu.memref_slice %arg5[%squeeze3A_176, %dma_start3A_180] : memref<2x2048xf32, #tpu.memory_space<vmem>> -> memref<1x2048xf32, #tpu.memory_space<vmem>>
      %dma_start3A_182 = tpu.memref_squeeze %dma_start3A_181 : memref<1x2048xf32, #tpu.memory_space<vmem>> -> memref<2048xf32, #tpu.memory_space<vmem>>
      %dma_start3A_183 = arith.constant 0 : i32
      %dma_start3A_184 = tpu.memref_slice %arg4[%select_n3A, %add3A_179, %dma_start3A_183] : memref<4x4096x2048xf32, #tpu.memory_space<hbm>> -> memref<1x1x2048xf32, #tpu.memory_space<hbm>>
      %dma_start3A_185 = tpu.memref_squeeze %dma_start3A_184 : memref<1x1x2048xf32, #tpu.memory_space<hbm>> -> memref<2048xf32, #tpu.memory_space<hbm>>
      %dma_start3A_186 = arith.constant 0 : i32
      %dma_start3A_187 = tpu.memref_slice %arg4[%select_n3A, %add3A_179, %dma_start3A_186] : memref<4x4096x2048xf32, #tpu.memory_space<hbm>> -> memref<1x1x2048xf32, #tpu.memory_space<hbm>>
      %dma_start3A_188 = tpu.memref_squeeze %dma_start3A_187 : memref<1x1x2048xf32, #tpu.memory_space<hbm>> -> memref<2048xf32, #tpu.memory_space<hbm>>
      %dma_start3A_189 = arith.constant 0 : i32
      %dma_start3A_190 = tpu.memref_slice %arg5[%squeeze3A_176, %dma_start3A_189] : memref<2x2048xf32, #tpu.memory_space<vmem>> -> memref<1x2048xf32, #tpu.memory_space<vmem>>
      %dma_start3A_191 = tpu.memref_squeeze %dma_start3A_190 : memref<1x2048xf32, #tpu.memory_space<vmem>> -> memref<2048xf32, #tpu.memory_space<vmem>>
      tpu.enqueue_dma source(%dma_start3A_191 : memref<2048xf32, #tpu.memory_space<vmem>>) target(%dma_start3A_188 : memref<2048xf32, #tpu.memory_space<hbm>>) target_semaphore(%arg7 : memref<!tpu.dma_semaphore, #tpu.memory_space<semaphore_mem>>)
      %slice3A_192 = vector.extract_strided_slice %get3A_57 {offsets = [8], sizes = [1], strides = [1]} : vector<16xi32> to vector<1xi32>
      %squeeze3A_193 = vector.extract %slice3A_192[0] : i32 from vector<1xi32>
      %add3A_194 = arith.addi %mul3A_32, %mul3A_55 : i32
      %add3A_195 = arith.constant 8 : i32
      %add3A_196 = arith.addi %add3A_194, %add3A_195 : i32
      %dma_start3A_197 = arith.constant 0 : i32
      %dma_start3A_198 = tpu.memref_slice %arg5[%squeeze3A_193, %dma_start3A_197] : memref<2x2048xf32, #tpu.memory_space<vmem>> -> memref<1x2048xf32, #tpu.memory_space<vmem>>
      %dma_start3A_199 = tpu.memref_squeeze %dma_start3A_198 : memref<1x2048xf32, #tpu.memory_space<vmem>> -> memref<2048xf32, #tpu.memory_space<vmem>>
      %dma_start3A_200 = arith.constant 0 : i32
      %dma_start3A_201 = tpu.memref_slice %arg4[%select_n3A, %add3A_196, %dma_start3A_200] : memref<4x4096x2048xf32, #tpu.memory_space<hbm>> -> memref<1x1x2048xf32, #tpu.memory_space<hbm>>
      %dma_start3A_202 = tpu.memref_squeeze %dma_start3A_201 : memref<1x1x2048xf32, #tpu.memory_space<hbm>> -> memref<2048xf32, #tpu.memory_space<hbm>>
      %dma_start3A_203 = arith.constant 0 : i32
      %dma_start3A_204 = tpu.memref_slice %arg4[%select_n3A, %add3A_196, %dma_start3A_203] : memref<4x4096x2048xf32, #tpu.memory_space<hbm>> -> memref<1x1x2048xf32, #tpu.memory_space<hbm>>
      %dma_start3A_205 = tpu.memref_squeeze %dma_start3A_204 : memref<1x1x2048xf32, #tpu.memory_space<hbm>> -> memref<2048xf32, #tpu.memory_space<hbm>>
      %dma_start3A_206 = arith.constant 0 : i32
      %dma_start3A_207 = tpu.memref_slice %arg5[%squeeze3A_193, %dma_start3A_206] : memref<2x2048xf32, #tpu.memory_space<vmem>> -> memref<1x2048xf32, #tpu.memory_space<vmem>>
      %dma_start3A_208 = tpu.memref_squeeze %dma_start3A_207 : memref<1x2048xf32, #tpu.memory_space<vmem>> -> memref<2048xf32, #tpu.memory_space<vmem>>
      tpu.enqueue_dma source(%dma_start3A_208 : memref<2048xf32, #tpu.memory_space<vmem>>) target(%dma_start3A_205 : memref<2048xf32, #tpu.memory_space<hbm>>) target_semaphore(%arg7 : memref<!tpu.dma_semaphore, #tpu.memory_space<semaphore_mem>>)
      %slice3A_209 = vector.extract_strided_slice %get3A_57 {offsets = [9], sizes = [1], strides = [1]} : vector<16xi32> to vector<1xi32>
      %squeeze3A_210 = vector.extract %slice3A_209[0] : i32 from vector<1xi32>
      %add3A_211 = arith.addi %mul3A_32, %mul3A_55 : i32
      %add3A_212 = arith.constant 9 : i32
      %add3A_213 = arith.addi %add3A_211, %add3A_212 : i32
      %dma_start3A_214 = arith.constant 0 : i32
      %dma_start3A_215 = tpu.memref_slice %arg5[%squeeze3A_210, %dma_start3A_214] : memref<2x2048xf32, #tpu.memory_space<vmem>> -> memref<1x2048xf32, #tpu.memory_space<vmem>>
      %dma_start3A_216 = tpu.memref_squeeze %dma_start3A_215 : memref<1x2048xf32, #tpu.memory_space<vmem>> -> memref<2048xf32, #tpu.memory_space<vmem>>
      %dma_start3A_217 = arith.constant 0 : i32
      %dma_start3A_218 = tpu.memref_slice %arg4[%select_n3A, %add3A_213, %dma_start3A_217] : memref<4x4096x2048xf32, #tpu.memory_space<hbm>> -> memref<1x1x2048xf32, #tpu.memory_space<hbm>>
      %dma_start3A_219 = tpu.memref_squeeze %dma_start3A_218 : memref<1x1x2048xf32, #tpu.memory_space<hbm>> -> memref<2048xf32, #tpu.memory_space<hbm>>
      %dma_start3A_220 = arith.constant 0 : i32
      %dma_start3A_221 = tpu.memref_slice %arg4[%select_n3A, %add3A_213, %dma_start3A_220] : memref<4x4096x2048xf32, #tpu.memory_space<hbm>> -> memref<1x1x2048xf32, #tpu.memory_space<hbm>>
      %dma_start3A_222 = tpu.memref_squeeze %dma_start3A_221 : memref<1x1x2048xf32, #tpu.memory_space<hbm>> -> memref<2048xf32, #tpu.memory_space<hbm>>
      %dma_start3A_223 = arith.constant 0 : i32
      %dma_start3A_224 = tpu.memref_slice %arg5[%squeeze3A_210, %dma_start3A_223] : memref<2x2048xf32, #tpu.memory_space<vmem>> -> memref<1x2048xf32, #tpu.memory_space<vmem>>
      %dma_start3A_225 = tpu.memref_squeeze %dma_start3A_224 : memref<1x2048xf32, #tpu.memory_space<vmem>> -> memref<2048xf32, #tpu.memory_space<vmem>>
      tpu.enqueue_dma source(%dma_start3A_225 : memref<2048xf32, #tpu.memory_space<vmem>>) target(%dma_start3A_222 : memref<2048xf32, #tpu.memory_space<hbm>>) target_semaphore(%arg7 : memref<!tpu.dma_semaphore, #tpu.memory_space<semaphore_mem>>)
      %slice3A_226 = vector.extract_strided_slice %get3A_57 {offsets = [10], sizes = [1], strides = [1]} : vector<16xi32> to vector<1xi32>
      %squeeze3A_227 = vector.extract %slice3A_226[0] : i32 from vector<1xi32>
      %add3A_228 = arith.addi %mul3A_32, %mul3A_55 : i32
      %add3A_229 = arith.constant 10 : i32
      %add3A_230 = arith.addi %add3A_228, %add3A_229 : i32
      %dma_start3A_231 = arith.constant 0 : i32
      %dma_start3A_232 = tpu.memref_slice %arg5[%squeeze3A_227, %dma_start3A_231] : memref<2x2048xf32, #tpu.memory_space<vmem>> -> memref<1x2048xf32, #tpu.memory_space<vmem>>
      %dma_start3A_233 = tpu.memref_squeeze %dma_start3A_232 : memref<1x2048xf32, #tpu.memory_space<vmem>> -> memref<2048xf32, #tpu.memory_space<vmem>>
      %dma_start3A_234 = arith.constant 0 : i32
      %dma_start3A_235 = tpu.memref_slice %arg4[%select_n3A, %add3A_230, %dma_start3A_234] : memref<4x4096x2048xf32, #tpu.memory_space<hbm>> -> memref<1x1x2048xf32, #tpu.memory_space<hbm>>
      %dma_start3A_236 = tpu.memref_squeeze %dma_start3A_235 : memref<1x1x2048xf32, #tpu.memory_space<hbm>> -> memref<2048xf32, #tpu.memory_space<hbm>>
      %dma_start3A_237 = arith.constant 0 : i32
      %dma_start3A_238 = tpu.memref_slice %arg4[%select_n3A, %add3A_230, %dma_start3A_237] : memref<4x4096x2048xf32, #tpu.memory_space<hbm>> -> memref<1x1x2048xf32, #tpu.memory_space<hbm>>
      %dma_start3A_239 = tpu.memref_squeeze %dma_start3A_238 : memref<1x1x2048xf32, #tpu.memory_space<hbm>> -> memref<2048xf32, #tpu.memory_space<hbm>>
      %dma_start3A_240 = arith.constant 0 : i32
      %dma_start3A_241 = tpu.memref_slice %arg5[%squeeze3A_227, %dma_start3A_240] : memref<2x2048xf32, #tpu.memory_space<vmem>> -> memref<1x2048xf32, #tpu.memory_space<vmem>>
      %dma_start3A_242 = tpu.memref_squeeze %dma_start3A_241 : memref<1x2048xf32, #tpu.memory_space<vmem>> -> memref<2048xf32, #tpu.memory_space<vmem>>
      tpu.enqueue_dma source(%dma_start3A_242 : memref<2048xf32, #tpu.memory_space<vmem>>) target(%dma_start3A_239 : memref<2048xf32, #tpu.memory_space<hbm>>) target_semaphore(%arg7 : memref<!tpu.dma_semaphore, #tpu.memory_space<semaphore_mem>>)
      %slice3A_243 = vector.extract_strided_slice %get3A_57 {offsets = [11], sizes = [1], strides = [1]} : vector<16xi32> to vector<1xi32>
      %squeeze3A_244 = vector.extract %slice3A_243[0] : i32 from vector<1xi32>
      %add3A_245 = arith.addi %mul3A_32, %mul3A_55 : i32
      %add3A_246 = arith.constant 11 : i32
      %add3A_247 = arith.addi %add3A_245, %add3A_246 : i32
      %dma_start3A_248 = arith.constant 0 : i32
      %dma_start3A_249 = tpu.memref_slice %arg5[%squeeze3A_244, %dma_start3A_248] : memref<2x2048xf32, #tpu.memory_space<vmem>> -> memref<1x2048xf32, #tpu.memory_space<vmem>>
      %dma_start3A_250 = tpu.memref_squeeze %dma_start3A_249 : memref<1x2048xf32, #tpu.memory_space<vmem>> -> memref<2048xf32, #tpu.memory_space<vmem>>
      %dma_start3A_251 = arith.constant 0 : i32
      %dma_start3A_252 = tpu.memref_slice %arg4[%select_n3A, %add3A_247, %dma_start3A_251] : memref<4x4096x2048xf32, #tpu.memory_space<hbm>> -> memref<1x1x2048xf32, #tpu.memory_space<hbm>>
      %dma_start3A_253 = tpu.memref_squeeze %dma_start3A_252 : memref<1x1x2048xf32, #tpu.memory_space<hbm>> -> memref<2048xf32, #tpu.memory_space<hbm>>
      %dma_start3A_254 = arith.constant 0 : i32
      %dma_start3A_255 = tpu.memref_slice %arg4[%select_n3A, %add3A_247, %dma_start3A_254] : memref<4x4096x2048xf32, #tpu.memory_space<hbm>> -> memref<1x1x2048xf32, #tpu.memory_space<hbm>>
      %dma_start3A_256 = tpu.memref_squeeze %dma_start3A_255 : memref<1x1x2048xf32, #tpu.memory_space<hbm>> -> memref<2048xf32, #tpu.memory_space<hbm>>
      %dma_start3A_257 = arith.constant 0 : i32
      %dma_start3A_258 = tpu.memref_slice %arg5[%squeeze3A_244, %dma_start3A_257] : memref<2x2048xf32, #tpu.memory_space<vmem>> -> memref<1x2048xf32, #tpu.memory_space<vmem>>
      %dma_start3A_259 = tpu.memref_squeeze %dma_start3A_258 : memref<1x2048xf32, #tpu.memory_space<vmem>> -> memref<2048xf32, #tpu.memory_space<vmem>>
      tpu.enqueue_dma source(%dma_start3A_259 : memref<2048xf32, #tpu.memory_space<vmem>>) target(%dma_start3A_256 : memref<2048xf32, #tpu.memory_space<hbm>>) target_semaphore(%arg7 : memref<!tpu.dma_semaphore, #tpu.memory_space<semaphore_mem>>)
      %slice3A_260 = vector.extract_strided_slice %get3A_57 {offsets = [12], sizes = [1], strides = [1]} : vector<16xi32> to vector<1xi32>
      %squeeze3A_261 = vector.extract %slice3A_260[0] : i32 from vector<1xi32>
      %add3A_262 = arith.addi %mul3A_32, %mul3A_55 : i32
      %add3A_263 = arith.constant 12 : i32
      %add3A_264 = arith.addi %add3A_262, %add3A_263 : i32
      %dma_start3A_265 = arith.constant 0 : i32
      %dma_start3A_266 = tpu.memref_slice %arg5[%squeeze3A_261, %dma_start3A_265] : memref<2x2048xf32, #tpu.memory_space<vmem>> -> memref<1x2048xf32, #tpu.memory_space<vmem>>
      %dma_start3A_267 = tpu.memref_squeeze %dma_start3A_266 : memref<1x2048xf32, #tpu.memory_space<vmem>> -> memref<2048xf32, #tpu.memory_space<vmem>>
      %dma_start3A_268 = arith.constant 0 : i32
      %dma_start3A_269 = tpu.memref_slice %arg4[%select_n3A, %add3A_264, %dma_start3A_268] : memref<4x4096x2048xf32, #tpu.memory_space<hbm>> -> memref<1x1x2048xf32, #tpu.memory_space<hbm>>
      %dma_start3A_270 = tpu.memref_squeeze %dma_start3A_269 : memref<1x1x2048xf32, #tpu.memory_space<hbm>> -> memref<2048xf32, #tpu.memory_space<hbm>>
      %dma_start3A_271 = arith.constant 0 : i32
      %dma_start3A_272 = tpu.memref_slice %arg4[%select_n3A, %add3A_264, %dma_start3A_271] : memref<4x4096x2048xf32, #tpu.memory_space<hbm>> -> memref<1x1x2048xf32, #tpu.memory_space<hbm>>
      %dma_start3A_273 = tpu.memref_squeeze %dma_start3A_272 : memref<1x1x2048xf32, #tpu.memory_space<hbm>> -> memref<2048xf32, #tpu.memory_space<hbm>>
      %dma_start3A_274 = arith.constant 0 : i32
      %dma_start3A_275 = tpu.memref_slice %arg5[%squeeze3A_261, %dma_start3A_274] : memref<2x2048xf32, #tpu.memory_space<vmem>> -> memref<1x2048xf32, #tpu.memory_space<vmem>>
      %dma_start3A_276 = tpu.memref_squeeze %dma_start3A_275 : memref<1x2048xf32, #tpu.memory_space<vmem>> -> memref<2048xf32, #tpu.memory_space<vmem>>
      tpu.enqueue_dma source(%dma_start3A_276 : memref<2048xf32, #tpu.memory_space<vmem>>) target(%dma_start3A_273 : memref<2048xf32, #tpu.memory_space<hbm>>) target_semaphore(%arg7 : memref<!tpu.dma_semaphore, #tpu.memory_space<semaphore_mem>>)
      %slice3A_277 = vector.extract_strided_slice %get3A_57 {offsets = [13], sizes = [1], strides = [1]} : vector<16xi32> to vector<1xi32>
      %squeeze3A_278 = vector.extract %slice3A_277[0] : i32 from vector<1xi32>
      %add3A_279 = arith.addi %mul3A_32, %mul3A_55 : i32
      %add3A_280 = arith.constant 13 : i32
      %add3A_281 = arith.addi %add3A_279, %add3A_280 : i32
      %dma_start3A_282 = arith.constant 0 : i32
      %dma_start3A_283 = tpu.memref_slice %arg5[%squeeze3A_278, %dma_start3A_282] : memref<2x2048xf32, #tpu.memory_space<vmem>> -> memref<1x2048xf32, #tpu.memory_space<vmem>>
      %dma_start3A_284 = tpu.memref_squeeze %dma_start3A_283 : memref<1x2048xf32, #tpu.memory_space<vmem>> -> memref<2048xf32, #tpu.memory_space<vmem>>
      %dma_start3A_285 = arith.constant 0 : i32
      %dma_start3A_286 = tpu.memref_slice %arg4[%select_n3A, %add3A_281, %dma_start3A_285] : memref<4x4096x2048xf32, #tpu.memory_space<hbm>> -> memref<1x1x2048xf32, #tpu.memory_space<hbm>>
      %dma_start3A_287 = tpu.memref_squeeze %dma_start3A_286 : memref<1x1x2048xf32, #tpu.memory_space<hbm>> -> memref<2048xf32, #tpu.memory_space<hbm>>
      %dma_start3A_288 = arith.constant 0 : i32
      %dma_start3A_289 = tpu.memref_slice %arg4[%select_n3A, %add3A_281, %dma_start3A_288] : memref<4x4096x2048xf32, #tpu.memory_space<hbm>> -> memref<1x1x2048xf32, #tpu.memory_space<hbm>>
      %dma_start3A_290 = tpu.memref_squeeze %dma_start3A_289 : memref<1x1x2048xf32, #tpu.memory_space<hbm>> -> memref<2048xf32, #tpu.memory_space<hbm>>
      %dma_start3A_291 = arith.constant 0 : i32
      %dma_start3A_292 = tpu.memref_slice %arg5[%squeeze3A_278, %dma_start3A_291] : memref<2x2048xf32, #tpu.memory_space<vmem>> -> memref<1x2048xf32, #tpu.memory_space<vmem>>
      %dma_start3A_293 = tpu.memref_squeeze %dma_start3A_292 : memref<1x2048xf32, #tpu.memory_space<vmem>> -> memref<2048xf32, #tpu.memory_space<vmem>>
      tpu.enqueue_dma source(%dma_start3A_293 : memref<2048xf32, #tpu.memory_space<vmem>>) target(%dma_start3A_290 : memref<2048xf32, #tpu.memory_space<hbm>>) target_semaphore(%arg7 : memref<!tpu.dma_semaphore, #tpu.memory_space<semaphore_mem>>)
      %slice3A_294 = vector.extract_strided_slice %get3A_57 {offsets = [14], sizes = [1], strides = [1]} : vector<16xi32> to vector<1xi32>
      %squeeze3A_295 = vector.extract %slice3A_294[0] : i32 from vector<1xi32>
      %add3A_296 = arith.addi %mul3A_32, %mul3A_55 : i32
      %add3A_297 = arith.constant 14 : i32
      %add3A_298 = arith.addi %add3A_296, %add3A_297 : i32
      %dma_start3A_299 = arith.constant 0 : i32
      %dma_start3A_300 = tpu.memref_slice %arg5[%squeeze3A_295, %dma_start3A_299] : memref<2x2048xf32, #tpu.memory_space<vmem>> -> memref<1x2048xf32, #tpu.memory_space<vmem>>
      %dma_start3A_301 = tpu.memref_squeeze %dma_start3A_300 : memref<1x2048xf32, #tpu.memory_space<vmem>> -> memref<2048xf32, #tpu.memory_space<vmem>>
      %dma_start3A_302 = arith.constant 0 : i32
      %dma_start3A_303 = tpu.memref_slice %arg4[%select_n3A, %add3A_298, %dma_start3A_302] : memref<4x4096x2048xf32, #tpu.memory_space<hbm>> -> memref<1x1x2048xf32, #tpu.memory_space<hbm>>
      %dma_start3A_304 = tpu.memref_squeeze %dma_start3A_303 : memref<1x1x2048xf32, #tpu.memory_space<hbm>> -> memref<2048xf32, #tpu.memory_space<hbm>>
      %dma_start3A_305 = arith.constant 0 : i32
      %dma_start3A_306 = tpu.memref_slice %arg4[%select_n3A, %add3A_298, %dma_start3A_305] : memref<4x4096x2048xf32, #tpu.memory_space<hbm>> -> memref<1x1x2048xf32, #tpu.memory_space<hbm>>
      %dma_start3A_307 = tpu.memref_squeeze %dma_start3A_306 : memref<1x1x2048xf32, #tpu.memory_space<hbm>> -> memref<2048xf32, #tpu.memory_space<hbm>>
      %dma_start3A_308 = arith.constant 0 : i32
      %dma_start3A_309 = tpu.memref_slice %arg5[%squeeze3A_295, %dma_start3A_308] : memref<2x2048xf32, #tpu.memory_space<vmem>> -> memref<1x2048xf32, #tpu.memory_space<vmem>>
      %dma_start3A_310 = tpu.memref_squeeze %dma_start3A_309 : memref<1x2048xf32, #tpu.memory_space<vmem>> -> memref<2048xf32, #tpu.memory_space<vmem>>
      tpu.enqueue_dma source(%dma_start3A_310 : memref<2048xf32, #tpu.memory_space<vmem>>) target(%dma_start3A_307 : memref<2048xf32, #tpu.memory_space<hbm>>) target_semaphore(%arg7 : memref<!tpu.dma_semaphore, #tpu.memory_space<semaphore_mem>>)
      %slice3A_311 = vector.extract_strided_slice %get3A_57 {offsets = [15], sizes = [1], strides = [1]} : vector<16xi32> to vector<1xi32>
      %squeeze3A_312 = vector.extract %slice3A_311[0] : i32 from vector<1xi32>
      %add3A_313 = arith.addi %mul3A_32, %mul3A_55 : i32
      %add3A_314 = arith.constant 15 : i32
      %add3A_315 = arith.addi %add3A_313, %add3A_314 : i32
      %dma_start3A_316 = arith.constant 0 : i32
      %dma_start3A_317 = tpu.memref_slice %arg5[%squeeze3A_312, %dma_start3A_316] : memref<2x2048xf32, #tpu.memory_space<vmem>> -> memref<1x2048xf32, #tpu.memory_space<vmem>>
      %dma_start3A_318 = tpu.memref_squeeze %dma_start3A_317 : memref<1x2048xf32, #tpu.memory_space<vmem>> -> memref<2048xf32, #tpu.memory_space<vmem>>
      %dma_start3A_319 = arith.constant 0 : i32
      %dma_start3A_320 = tpu.memref_slice %arg4[%select_n3A, %add3A_315, %dma_start3A_319] : memref<4x4096x2048xf32, #tpu.memory_space<hbm>> -> memref<1x1x2048xf32, #tpu.memory_space<hbm>>
      %dma_start3A_321 = tpu.memref_squeeze %dma_start3A_320 : memref<1x1x2048xf32, #tpu.memory_space<hbm>> -> memref<2048xf32, #tpu.memory_space<hbm>>
      %dma_start3A_322 = arith.constant 0 : i32
      %dma_start3A_323 = tpu.memref_slice %arg4[%select_n3A, %add3A_315, %dma_start3A_322] : memref<4x4096x2048xf32, #tpu.memory_space<hbm>> -> memref<1x1x2048xf32, #tpu.memory_space<hbm>>
      %dma_start3A_324 = tpu.memref_squeeze %dma_start3A_323 : memref<1x1x2048xf32, #tpu.memory_space<hbm>> -> memref<2048xf32, #tpu.memory_space<hbm>>
      %dma_start3A_325 = arith.constant 0 : i32
      %dma_start3A_326 = tpu.memref_slice %arg5[%squeeze3A_312, %dma_start3A_325] : memref<2x2048xf32, #tpu.memory_space<vmem>> -> memref<1x2048xf32, #tpu.memory_space<vmem>>
      %dma_start3A_327 = tpu.memref_squeeze %dma_start3A_326 : memref<1x2048xf32, #tpu.memory_space<vmem>> -> memref<2048xf32, #tpu.memory_space<vmem>>
      tpu.enqueue_dma source(%dma_start3A_327 : memref<2048xf32, #tpu.memory_space<vmem>>) target(%dma_start3A_324 : memref<2048xf32, #tpu.memory_space<hbm>>) target_semaphore(%arg7 : memref<!tpu.dma_semaphore, #tpu.memory_space<semaphore_mem>>)
    }
    %scan3A_42 = arith.constant 32 : i32
    %dma_wait3A_43 = arith.constant 0 : i32
    %dma_wait3A_44 = tpu.memref_slice %arg4[%select_n3A, %mul3A_32, %dma_wait3A_43] : memref<4x4096x2048xf32, #tpu.memory_space<hbm>> -> memref<1x512x2048xf32, #tpu.memory_space<hbm>>
    %dma_wait3A_45 = tpu.memref_squeeze %dma_wait3A_44 : memref<1x512x2048xf32, #tpu.memory_space<hbm>> -> memref<512x2048xf32, #tpu.memory_space<hbm>>
    %dma_wait3A_46 = arith.constant 0 : i32
    %dma_wait3A_47 = tpu.memref_slice %arg4[%select_n3A, %mul3A_32, %dma_wait3A_46] : memref<4x4096x2048xf32, #tpu.memory_space<hbm>> -> memref<1x512x2048xf32, #tpu.memory_space<hbm>>
    %dma_wait3A_48 = tpu.memref_squeeze %dma_wait3A_47 : memref<1x512x2048xf32, #tpu.memory_space<hbm>> -> memref<512x2048xf32, #tpu.memory_space<hbm>>
    tpu.wait_dma2 semaphore(%arg7 : memref<!tpu.dma_semaphore, #tpu.memory_space<semaphore_mem>>) src(%dma_wait3A_48 : memref<512x2048xf32, #tpu.memory_space<hbm>>) dst(%dma_wait3A_45 : memref<512x2048xf32, #tpu.memory_space<hbm>>)
    return
  }
}

</mosaic_0001>

<sc_bundles>
// kernel: kernel.3.cloned.1.call-start
scs
__scs_entry_jumppad:
0x0: {  	(pc) =	sbr.rel $0x88, $3  }
0x1: {  	(tag) =	ssettag $0x0;
	lr =	simm.s32 $0x1  }
0x2: {  	[smem:$0x3F9F] =	sst lr;
	_ =	strace $0xD0000000  }
0x3: {  	_ = 	snop  }
0x4: {  	_ = 	snop  }
0x5: {  	_ = 	snop  }
0x6: {  	_ = 	snop  }
0x7: {  	_ = 	snop  }
__scs_overlays_trampoline_lowered:
0x8: {  	[smem:$0x3FAE] =	sst s0  }
0x9: {  	[smem:$0x3FAF] =	sst s1  }
0xa: {  	[smem:$0x3FB0] =	sst s2  }
0xb: {  	[smem:$0x3FB1] =	sst s3  }
0xc: {  	[smem:$0x3FB2] =	sst s4  }
0xd: {  	[smem:$0x3FB3] =	sst s5  }
0xe: {  	[smem:$0x3FB4] =	sst s6  }
0xf: {  	[smem:$0x3FB5] =	sst s7  }
0x10: {  	[smem:$0x3FB6] =	sst s8  }
0x11: {  	[smem:$0x3FB7] =	sst s9;
	s0 =	simm.s32 @!p0 $0x0  }
0x12: {  	s1 =	sld [smem:$0x3F9D];
	s0 =	simm.s32 @p0 $0x1  }
0x13: {  	[smem:$0x3FB8] =	sst s0;
	s0 =	simm.s32 @!p1 $0x0  }
0x14: {  	s2 =	sld [smem:$0x3F9C];
	s0 =	simm.s32 @p1 $0x1  }
0x15: {  	[smem:$0x3FB9] =	sst s0;
	s0 =	simm.s32 @!p2 $0x0  }
0x16: {  	s3 =	sld [smem:$0x3FDB];
	s0 =	simm.s32 @p2 $0x1  }
0x17: {  	s4 =	simm.s32 $0x1BF5;
	[smem:$0x3FBB] =	sst s0  }
0x18: {  	s0 =	sld [smem:$0x3F9E];
	_ =	swait.ge [sflag:s4], $0x0  }
0x19: {  	s7 =	sld [smem:$0x3F9F]  }
0x1a: {  	s8 =	sadd.s32 $0xFFFFE003, lr  }
0x1b: {  	s9 =	sadd.s32 $0xFFFFFEF7, lr;
	s5 =	simm.s32 $0xFFFFFFFF;
	p2 =	slt.u32 s8, $0xFFFFF086  }
0x1c: {  	p1 =	slt.u32 s9, $0xF7A;
	s5 =	simm.s32 @!p2 $0x0  }
0x1d: {  	s5 =	simm.s32 @p1 $0x1;
	p0 =	seq.s32 s7, s2  }
0x1e: {  	s7 =	smul.u32 @!p0 $0xF7A, s2;
	p2 =	seq.s32 @!p0 s5, $0x0  }
0x1f: {  	s9 =	smul.u32 $0xF7A, s1;
	s8 =	simm.s32 @!p0 $0x1BF5;
	p2 =	por !p2, p0  }
0x20: {  	[sflag:s8] =	ssyncset.s32 @!p0 $0xFFFFF086;
	s6 =	sadd.s32 @!p0 s3, s7;
	s7 =	simm.s32 @!p0 $0x108  }
0x21: {  	s3 =	sadd.s32 s3, s9;
	s6 =	sadd.s32 @!p0 $0x88, s6;
	s7 =	simm.s32 @p2 $0x1082  }
0x22: {  	[simem:s7], [sflag:s8] =	dma.local @!p0 [hbm:s6], $0xF7A  }
0x23: {  	s9 =	sor.u32 $0xD0000000, s2;
	s6 =	simm.s32 $0x108;
	_ =	swait.ge @!p0 [sflag:s8], $0x0  }
0x24: {  	s3 =	sadd.s32 $0x88, s3;
	s6 =	simm.s32 @!p1 $0x1082;
	[sflag:s4] =	ssyncset.s32 $0xFFFFF086  }
0x25: {  	[simem:s6], [sflag:s4] =	dma.local [hbm:s3], $0xF7A  }
0x26: {  	[smem:$0x3F9F] =	sst s1;
	(tag) =	ssettag s2;
	_ =	strace s9  }
0x27: {  	s1 =	sld [smem:$0x3FAF]  }
0x28: {  	s2 =	sld [smem:$0x3FB0]  }
0x29: {  	s4 =	sld [smem:$0x3FB2]  }
0x2a: {  	p0 =	seq.s32 s5, $0x0;
	s5 =	sld [smem:$0x3FB3]  }
0x2b: {  	s6 =	sld [smem:$0x3FB4]  }
0x2c: {  	s7 =	sld [smem:$0x3FB5]  }
0x2d: {  	s3 =	simm.s32 $0x108;
	s8 =	sld [smem:$0x3FB6]  }
0x2e: {  	s3 =	simm.s32 @!p0 $0x1082;
	s9 =	sld [smem:$0x3FB7]  }
0x2f: {  	lr =	sadd.s32 s0, s3;
	s0 =	sld [smem:$0x3FAE]  }
0x30: {  	s3 =	sld [smem:$0x3FB1]  }
0x31: {  	[smem:$0x3FBA] =	sst s10  }
0x32: {  	s10 =	sld [smem:$0x3FB8];
	_ =	sdelay $0x3  }
0x33: {  	p0 =	seq.s32 s10, $0x1;
	s10 =	sld [smem:$0x3FBA];
	_ =	sdelay $0x3  }
0x34: {  	[smem:$0x3FBA] =	sst s10  }
0x35: {  	s10 =	sld [smem:$0x3FB9];
	_ =	sdelay $0x3  }
0x36: {  	p1 =	seq.s32 s10, $0x1;
	s10 =	sld [smem:$0x3FBA];
	_ =	sdelay $0x3  }
0x37: {  	[smem:$0x3FBA] =	sst s10  }
0x38: {  	s10 =	sld [smem:$0x3FBB]  }
0x39: {  	_ = 	snop;
	(pc) =	sbr.ind lr, $3  }
0x3a: {  	_ = 	snop  }
0x3b: {  	_ = 	snop  }
0x3c: {  	p2 =	seq.s32 s10, $0x1;
	s10 =	sld [smem:$0x3FBA]  }
0x3d: {  	_ =	shalt  }
0x3e: {  	_ =	shalt  }
0x3f: {  	_ =	shalt  }
0x40: {  	_ =	shalt  }
0x41: {  	_ =	shalt  }
0x42: {  	_ =	shalt  }
0x43: {  	_ =	shalt  }
0x44: {  	_ =	shalt  }
0x45: {  	_ =	shalt  }
0x46: {  	_ =	shalt  }
0x47: {  	_ =	shalt  }
0x48: {  	_ =	shalt  }
0x49: {  	_ =	shalt  }
0x4a: {  	_ =	shalt  }
0x4b: {  	_ =	shalt  }
0x4c: {  	_ =	shalt  }
0x4d: {  	_ =	shalt  }
0x4e: {  	_ =	shalt  }
0x4f: {  	_ =	shalt  }
0x50: {  	_ =	shalt  }
0x51: {  	_ =	shalt  }
0x52: {  	_ =	shalt  }
0x53: {  	_ =	shalt  }
0x54: {  	_ =	shalt  }
0x55: {  	_ =	shalt  }
0x56: {  	_ =	shalt  }
0x57: {  	_ =	shalt  }
0x58: {  	_ =	shalt  }
0x59: {  	_ =	shalt  }
0x5a: {  	_ =	shalt  }
0x5b: {  	_ =	shalt  }
0x5c: {  	_ =	shalt  }
0x5d: {  	_ =	shalt  }
0x5e: {  	_ =	shalt  }
0x5f: {  	_ =	shalt  }
0x60: {  	_ =	shalt  }
0x61: {  	_ =	shalt  }
0x62: {  	_ =	shalt  }
0x63: {  	_ =	shalt  }
0x64: {  	_ =	shalt  }
0x65: {  	_ =	shalt  }
0x66: {  	_ =	shalt  }
0x67: {  	_ =	shalt  }
0x68: {  	_ =	shalt  }
0x69: {  	_ =	shalt  }
0x6a: {  	_ =	shalt  }
0x6b: {  	_ =	shalt  }
0x6c: {  	_ =	shalt  }
0x6d: {  	_ =	shalt  }
0x6e: {  	_ =	shalt  }
0x6f: {  	_ =	shalt  }
0x70: {  	_ =	shalt  }
0x71: {  	_ =	shalt  }
0x72: {  	_ =	shalt  }
0x73: {  	_ =	shalt  }
0x74: {  	_ =	shalt  }
0x75: {  	_ =	shalt  }
0x76: {  	_ =	shalt  }
0x77: {  	_ =	shalt  }
0x78: {  	_ =	shalt  }
0x79: {  	_ =	shalt  }
0x7a: {  	_ =	shalt  }
0x7b: {  	_ =	shalt  }
0x7c: {  	_ =	shalt  }
0x7d: {  	_ =	shalt  }
0x7e: {  	_ =	shalt  }
0x7f: {  	_ =	shalt  }
0x80: {  	_ =	shalt  }
0x81: {  	_ =	shalt  }
0x82: {  	_ =	shalt  }
0x83: {  	_ =	shalt  }
0x84: {  	_ =	shalt  }
0x85: {  	_ =	shalt  }
0x86: {  	_ =	shalt  }
0x87: {  	_ =	shalt  }
.Lfunc_end0:
.L_simem_size_0:
called_computation_lowered:
.L_overlay_start_0:
0x88: {  	s2 =	sld [smem:$0x3FD9]  }
0x89: {  	s3 =	sld [smem:$0x3FFE];
	_ =	sdelay $0x1  }
0x8a: {  	s1 =	srdreg.scid  }
0x8b: {  	s0 =	sand.u32 $0x1, s1  }
0x8c: {  	s18 =	sshll.u32 s0, $0xA;
	s2 =	sadd.s32 s3, s2  }
0x8d: {  	s2 =	sadd.s32 s2, s18  }
0x8e: {  	[smem:$0x3FC6] =	sst s2  }
0x8f: {  	_ = 	snop  }
0x90: {  	s2 =	sld [smem:$0x3FC9]  }
0x91: {  	s19 =	sld [smem:$0x3FC8]  }
0x92: {  	s4 =	sld [smem:$0x3FD0];
	(tm) =	ssettm $0x1  }
0x93: {  	s5 =	sld [smem:$0x3FFB];
	_ =	sdelay $0x3  }
0x94: {  	_ =	strace s5  }
0x95: {  	s5 =	sld [smem:$0x3FFC];
	_ =	sdelay $0x3  }
0x96: {  	_ =	strace s5  }
0x97: {  	s5 =	sld [smem:$0x3FFD];
	_ =	sdelay $0x3  }
0x98: {  	_ =	strace s5  }
0x99: {  	_ =	strace $0x8FFFFFFF  }
0x9a: {  	s20 =	sld [smem:$0x3FDB];
	_ =	sdelay $0x1  }
0x9b: {  	s6 =	simm.s32 $_scs_section_size  }
0x9c: {  	s7 =	simm.s32 $_size__tile_overlayer_lowered;
	s8 =	simm.s32 $_tile_overlayer_lowered  }
0x9d: {  	s23 =	simm.s32 $0x1BFF;
	s22 =	sshll.u32 s8, $0x1;
	s5 =	sadd.s32 s6, s20  }
0x9e: {  	s9 =	simm.s32 $0x0;
	s21 =	sshll.u32 s7, $0x1;
	s7 =	sadd.s32 s22, s5  }
0x9f: {  	[timem:s9], [sflag:s23] =	dma.local [hbm:s7], s21  }
0xa0: {  	_ =	swait.ge [sflag:s23], s21  }
0xa1: {  	s6 =	ssub.s32 $0x0, s21;
	[sflag:s23] =	ssyncset.done $0x0  }
0xa2: {  	[sflag:s23] =	ssyncadd.s32 s6;
	_ =	sdelay $0x1  }
0xa3: {  	s24 =	simm.s32 $0x1B8B  }
0xa4: {  	_ =	swait.ge [sflag:s24], $0x1  }
0xa5: {  	[sflag:s24] =	ssyncset.done $0x0  }
0xa6: {  	s25 =	simm.s32 $0x1B8E;
	[sflag:s24] =	ssyncadd.s32 $0xFFFFFFFF  }
0xa7: {  	s26 =	simm.s32 $execute0_lowered;
	[smem:$0x3FD2] =	sst s25  }
0xa8: {  	s6 =	sshll.u32 s26, $0x1;
	_ =	strace $0x80000046;
	[dreg:$0x1] =	wrdreg $0xFFFFFFFF  }
0xa9: {  	s28 =	simm.s32 $_size_execute0_lowered;
	s5 =	sadd.s32 s5, s6;
	[dreg:$0x0] =	wrdreg $0x0  }
0xaa: {  	s6 =	sshll.u32 s28, $0x1;
	[dreg:$0x2] =	wrdreg s5  }
0xab: {  	[dreg:$0x3] =	wrdreg s6  }
0xac: {  	[dreg:$0x4] =	wrdreg $0xC0  }
0xad: {  	_ =	task [dreg:s9], $0x5FFFF  }
0xae: {  	[dreg:$0x1] =	wrdreg $0xFFFFFFFF  }
0xaf: {  	[dreg:$0x0] =	wrdreg $0x60  }
0xb0: {  	[dreg:$0x2] =	wrdreg s2  }
0xb1: {  	[dreg:$0x3] =	wrdreg s19  }
0xb2: {  	[dreg:$0x4] =	wrdreg s4  }
0xb3: {  	[dreg:$0x5] =	wrdreg $0x9  }
0xb4: {  	_ =	task.clear_ibuf [dreg:s9], $0x6FFFF;
	_ =	strace $0x90000046  }
0xb5: {  	s29 =	simm.s32 $0x9;
	_ =	strace $0x80000048  }
0xb6: {  	_ =	swait.ge [sflag:s29], $0x1  }
0xb7: {  	[sflag:s29] =	ssyncadd.s32 $0xFFFFFFFF  }
0xb8: {  	_ =	strace $0x90000048  }
0xb9: {  	_ =	sfence  }
0xba: {  	s30 =	sld [smem:$0x0];
	_ =	sdelay $0x2  }
0xbb: {  	s31 =	sshll.u32 s1, $0xD;
	s1 =	sshrl.u32 s1, $0x2  }
0xbc: {  	s3 =	sand.u32 $0x4000, s31;
	s1 =	sadd.s32 s1, s30  }
0xbd: {  	s0 =	sor.u32 s3, s0;
	s1 =	sshll.u32 s1, $0x11  }
0xbe: {  	s0 =	sor.u32 s1, s0  }
0xbf: {  	s0 =	sadd.s32 $0x8F2B, s0  }
0xc0: {  	[sflag:s0] =	ssyncadd.remote.s32 $0x1  }
0xc1: {  	_ =	sfence.sel $0xFFFF  }
0xc2: {  	[dreg:$0x0] =	wrdreg $0xFFFFFFFF;
	(pc) =	sbr.abs _section_cstart, $3  }
0xc3: {  	[dreg:$0x1] =	wrdreg $0xFFFFFFFF  }
0xc4: {  	_ =	task.clear_ibuf [dreg:s9], $0x2FFFF;
	_ =	strace $0x9FFFFFFF  }
0xc5: {  	(tm) =	ssettm $0x7FFFFFFF  }
tec
execute0_lowered:
.L_overlay_start_1:
0x0: {  	(tag) =	ssettag $0x1  }
0x1: {  	s4 =	rddreg [dreg:$0x0]  }
0x2: {  	s0 =	srdreg.scid;
	s1 =	rddreg [dreg:$0x1]  }
0x3: {  	s6 =	rddreg [dreg:$0x2];
	s2 =	stileid.u32  }
0x4: {  	s5 =	sand.u32 $0x1, s0;
	s8 =	sshrl.u32 s2, $0x2;
	s30 =	sand.u32 $0x3, s2  }
0x5: {  	s9 =	sshll.u32 s2, $0x1;
	s3 =	ssub.s32 $0x2, s5;
	s10 =	sshll.u32 s8, $0x17  }
0x6: {  	s9 =	sand.u32 $0x6, s9;
	s8 =	sshll.u32 s8, $0x4;
	s7 =	sshrl.u32 s3, $0x1  }
0x7: {  	s9 =	sor.u32 s5, s9;
	s5 =	sshll.u32 s5, $0x14;
	s4 =	sadd.s32 s4, s8  }
0x8: {  	s8 =	simm.s32 $0x2;
	s7 =	ssub.s32 s3, s7;
	s3 =	sshll.u32 s30, $0x15  }
0x9: {  	s9 =	sshll.u32 s9, $0x8;
	s10 =	sor.u32 s3, s10;
	s3 =	simm.s32 $0x0  }
0xa: {  	s4 =	sadd.s32 s9, s4;
	s9 =	simm.s32 $0x1;
	s5 =	sor.u32 s5, s10  }
0xb: {  	[smem:$0x7FF] =	sst s3;
	s10 =	simm.s32 $0x0;
	s31 =	sshrl.u32 s5, $0x3  }
0xc: {  	_ =	strace $0x80000047;
	s5 =	smax.u32 s7, $0x1;
	s6 =	sadd.s32 s31, s6  }
0xd: {  	s7 =	simm.s32 $0x200;
	[dreg:$0x4] =	wrdreg s6;
	s6 =	simm.s32 $0x80  }
.LBB2_1:
0xe: {  	[tilespmem:s3], [sflag:$0x2] =	stream.linear.gather [hbm4b:s1+s3], $0x1000, $0x38;
	[tilespmem:$0x1200] =	vst v63  }
0xf: {  	s11 =	simm.s32 $0x1000  }
0x10: {  	[tilespmem:s11], [sflag:$0x2] =	stream.strided.gather [hbm4b:s4+s6], $0x200, s7, s6, $0x38;
	[tilespmem:$0x1200] =	vst v63  }
0x11: {  	_ =	swait.ge [sflag:s8], $0x1000  }
0x12: {  	[sflag:s8] =	ssyncset.done $0x0  }
0x13: {  	[sflag:s8] =	ssyncadd.s32 $0xFFFFF000  }
0x14: {  	_ =	swait.ge [sflag:s8], $0x200  }
0x15: {  	[sflag:s8] =	ssyncset.done $0x0  }
0x16: {  	[sflag:s8] =	ssyncadd.s32 $0xFFFFFE00  }
0x17: {  	v0 =	vld [tilespmem:s11+$0x0];
	_ =	sdelay $0x4  }
0x18: {  	(v2sf) =	vpush v0, $0x0;
	_ =	sdelay $0xe  }
0x19: {  	s12 =	spop (v2sf)  }
0x1a: {  	s13 =	sshll.u32 s12, $0xB;
	s12 =	sshll.u32 s12, $0x7  }
0x1b: {  	s16 =	rddreg [dreg:$0x4];
	s13 =	sand.u32 $0xFFFFF000, s13;
	s14 =	sand.u32 $0x80, s12  }
0x1c: {  	s12 =	sadd.s32 $0x0, s16;
	s11 =	sor.u32 s14, s13  }
0x1d: {  	[hbm4b:s12+s3] =	stream.linear.scatter [tilespmem:s11], [sflag:$0x1], $0x80, $0x38;
	[tilespmem:$0x1200] =	vst v63  }
0x1e: {  	s17 =	sadd.s32 $0x80, s12;
	s13 =	sor.u32 $0x100, s11  }
0x1f: {  	[hbm4b:s17+s3] =	stream.linear.scatter [tilespmem:s13], [sflag:$0x1], $0x80, $0x38;
	[tilespmem:$0x1200] =	vst v63  }
0x20: {  	s19 =	sadd.s32 $0x100, s12;
	s18 =	sor.u32 $0x200, s11  }
0x21: {  	[hbm4b:s19+s3] =	stream.linear.scatter [tilespmem:s18], [sflag:$0x1], $0x80, $0x38;
	[tilespmem:$0x1200] =	vst v63  }
0x22: {  	s21 =	sadd.s32 $0x180, s12;
	s20 =	sor.u32 $0x300, s11  }
0x23: {  	[hbm4b:s21+s3] =	stream.linear.scatter [tilespmem:s20], [sflag:$0x1], $0x80, $0x38;
	[tilespmem:$0x1200] =	vst v63  }
0x24: {  	s23 =	sadd.s32 $0x200, s12;
	s22 =	sor.u32 $0x400, s11  }
0x25: {  	[hbm4b:s23+s3] =	stream.linear.scatter [tilespmem:s22], [sflag:$0x1], $0x80, $0x38;
	[tilespmem:$0x1200] =	vst v63  }
0x26: {  	s25 =	sadd.s32 $0x280, s12;
	s24 =	sor.u32 $0x500, s11  }
0x27: {  	(v2sf) =	vpush v0, $0x1;
	[hbm4b:s25+s3] =	stream.linear.scatter [tilespmem:s24], [sflag:$0x1], $0x80, $0x38;
	[tilespmem:$0x1200] =	vst v63  }
0x28: {  	s28 =	sadd.s32 $0x300, s12;
	s26 =	sor.u32 $0x600, s11  }
0x29: {  	[hbm4b:s28+s3] =	stream.linear.scatter [tilespmem:s26], [sflag:$0x1], $0x80, $0x38;
	[tilespmem:$0x1200] =	vst v63  }
0x2a: {  	s30 =	sadd.s32 $0x380, s12;
	s29 =	sor.u32 $0x700, s11  }
0x2b: {  	[hbm4b:s30+s3] =	stream.linear.scatter [tilespmem:s29], [sflag:$0x1], $0x80, $0x38;
	[tilespmem:$0x1200] =	vst v63  }
0x2c: {  	s0 =	sadd.s32 $0x400, s12;
	s31 =	sor.u32 $0x800, s11  }
0x2d: {  	[hbm4b:s0+s3] =	stream.linear.scatter [tilespmem:s31], [sflag:$0x1], $0x80, $0x38;
	[tilespmem:$0x1200] =	vst v63  }
0x2e: {  	s15 =	sadd.s32 $0x480, s12;
	s14 =	sor.u32 $0x900, s11  }
0x2f: {  	[hbm4b:s15+s3] =	stream.linear.scatter [tilespmem:s14], [sflag:$0x1], $0x80, $0x38;
	[tilespmem:$0x1200] =	vst v63  }
0x30: {  	s16 =	sor.u32 $0xA00, s11;
	s17 =	sadd.s32 $0x500, s12  }
0x31: {  	[hbm4b:s17+s3] =	stream.linear.scatter [tilespmem:s16], [sflag:$0x1], $0x80, $0x38;
	[tilespmem:$0x1200] =	vst v63  }
0x32: {  	s19 =	sor.u32 $0xB00, s11;
	s21 =	sor.u32 $0xC00, s11;
	s15 =	sadd.s32 $0x580, s12  }
0x33: {  	[hbm4b:s15+s3] =	stream.linear.scatter [tilespmem:s19], [sflag:$0x1], $0x80, $0x38;
	[tilespmem:$0x1200] =	vst v63  }
0x34: {  	s22 =	sor.u32 $0xD00, s11;
	s23 =	sadd.s32 $0x680, s12;
	s16 =	sadd.s32 $0x600, s12  }
0x35: {  	[hbm4b:s16+s3] =	stream.linear.scatter [tilespmem:s21], [sflag:$0x1], $0x80, $0x38;
	[tilespmem:$0x1200] =	vst v63  }
0x36: {  	s24 =	sor.u32 $0xE00, s11;
	s25 =	sadd.s32 $0x700, s12;
	s18 =	spop (v2sf)  }
0x37: {  	[hbm4b:s23+s3] =	stream.linear.scatter [tilespmem:s22], [sflag:$0x1], $0x80, $0x38;
	[tilespmem:$0x1200] =	vst v63  }
0x38: {  	s11 =	sor.u32 $0xF00, s11;
	s20 =	sshll.u32 s18, $0xB;
	s13 =	sshll.u32 s18, $0x7  }
0x39: {  	[hbm4b:s25+s3] =	stream.linear.scatter [tilespmem:s24], [sflag:$0x1], $0x80, $0x38;
	[tilespmem:$0x1200] =	vst v63  }
0x3a: {  	s26 =	sadd.s32 $0x780, s12;
	s13 =	sand.u32 $0x80, s13;
	s14 =	sand.u32 $0xFFFFF000, s20  }
0x3b: {  	[hbm4b:s26+s3] =	stream.linear.scatter [tilespmem:s11], [sflag:$0x1], $0x80, $0x38;
	[tilespmem:$0x1200] =	vst v63  }
0x3c: {  	s28 =	sadd.s32 $0x10, s12;
	s11 =	sor.u32 s13, s14  }
0x3d: {  	[hbm4b:s28+s3] =	stream.linear.scatter [tilespmem:s11], [sflag:$0x1], $0x80, $0x38;
	[tilespmem:$0x1200] =	vst v63  }
0x3e: {  	s30 =	sadd.s32 $0x90, s12;
	s29 =	sor.u32 $0x100, s11  }
0x3f: {  	[hbm4b:s30+s3] =	stream.linear.scatter [tilespmem:s29], [sflag:$0x1], $0x80, $0x38;
	[tilespmem:$0x1200] =	vst v63  }
0x40: {  	s0 =	sadd.s32 $0x110, s12;
	s31 =	sor.u32 $0x200, s11  }
0x41: {  	[hbm4b:s0+s3] =	stream.linear.scatter [tilespmem:s31], [sflag:$0x1], $0x80, $0x38;
	[tilespmem:$0x1200] =	vst v63  }
0x42: {  	s16 =	sadd.s32 $0x190, s12;
	s15 =	sor.u32 $0x300, s11  }
0x43: {  	(v2sf) =	vpush v0, $0x2;
	[hbm4b:s16+s3] =	stream.linear.scatter [tilespmem:s15], [sflag:$0x1], $0x80, $0x38;
	[tilespmem:$0x1200] =	vst v63  }
0x44: {  	s18 =	sadd.s32 $0x210, s12;
	s17 =	sor.u32 $0x400, s11  }
0x45: {  	[hbm4b:s18+s3] =	stream.linear.scatter [tilespmem:s17], [sflag:$0x1], $0x80, $0x38;
	[tilespmem:$0x1200] =	vst v63  }
0x46: {  	s20 =	sadd.s32 $0x290, s12;
	s19 =	sor.u32 $0x500, s11  }
0x47: {  	[hbm4b:s20+s3] =	stream.linear.scatter [tilespmem:s19], [sflag:$0x1], $0x80, $0x38;
	[tilespmem:$0x1200] =	vst v63  }
0x48: {  	s22 =	sadd.s32 $0x310, s12;
	s21 =	sor.u32 $0x600, s11  }
0x49: {  	[hbm4b:s22+s3] =	stream.linear.scatter [tilespmem:s21], [sflag:$0x1], $0x80, $0x38;
	[tilespmem:$0x1200] =	vst v63  }
0x4a: {  	s24 =	sadd.s32 $0x390, s12;
	s23 =	sor.u32 $0x700, s11  }
0x4b: {  	[hbm4b:s24+s3] =	stream.linear.scatter [tilespmem:s23], [sflag:$0x1], $0x80, $0x38;
	[tilespmem:$0x1200] =	vst v63  }
0x4c: {  	s26 =	sadd.s32 $0x410, s12;
	s25 =	sor.u32 $0x800, s11  }
0x4d: {  	[hbm4b:s26+s3] =	stream.linear.scatter [tilespmem:s25], [sflag:$0x1], $0x80, $0x38;
	[tilespmem:$0x1200] =	vst v63  }
0x4e: {  	s28 =	sor.u32 $0x900, s11;
	s29 =	sadd.s32 $0x490, s12  }
0x4f: {  	[hbm4b:s29+s3] =	stream.linear.scatter [tilespmem:s28], [sflag:$0x1], $0x80, $0x38;
	[tilespmem:$0x1200] =	vst v63  }
0x50: {  	s30 =	sor.u32 $0xA00, s11;
	s31 =	sadd.s32 $0x510, s12  }
0x51: {  	[hbm4b:s31+s3] =	stream.linear.scatter [tilespmem:s30], [sflag:$0x1], $0x80, $0x38;
	[tilespmem:$0x1200] =	vst v63  }
0x52: {  	s0 =	spop (v2sf);
	s17 =	sor.u32 $0xB00, s11;
	s18 =	sadd.s32 $0x590, s12  }
0x53: {  	[hbm4b:s18+s3] =	stream.linear.scatter [tilespmem:s17], [sflag:$0x1], $0x80, $0x38;
	[tilespmem:$0x1200] =	vst v63  }
0x54: {  	s13 =	sshll.u32 s0, $0x7;
	s20 =	sor.u32 $0xC00, s11;
	s21 =	sadd.s32 $0x610, s12  }
0x55: {  	[hbm4b:s21+s3] =	stream.linear.scatter [tilespmem:s20], [sflag:$0x1], $0x80, $0x38;
	[tilespmem:$0x1200] =	vst v63  }
0x56: {  	s13 =	sand.u32 $0x80, s13;
	s22 =	sor.u32 $0xD00, s11;
	s23 =	sadd.s32 $0x690, s12  }
0x57: {  	[hbm4b:s23+s3] =	stream.linear.scatter [tilespmem:s22], [sflag:$0x1], $0x80, $0x38;
	[tilespmem:$0x1200] =	vst v63  }
0x58: {  	s19 =	sshll.u32 s0, $0xB;
	s24 =	sor.u32 $0xE00, s11;
	s25 =	sadd.s32 $0x710, s12  }
0x59: {  	[hbm4b:s25+s3] =	stream.linear.scatter [tilespmem:s24], [sflag:$0x1], $0x80, $0x38;
	[tilespmem:$0x1200] =	vst v63  }
0x5a: {  	s14 =	sand.u32 $0xFFFFF000, s19;
	s11 =	sor.u32 $0xF00, s11;
	s26 =	sadd.s32 $0x790, s12  }
0x5b: {  	[hbm4b:s26+s3] =	stream.linear.scatter [tilespmem:s11], [sflag:$0x1], $0x80, $0x38;
	[tilespmem:$0x1200] =	vst v63  }
0x5c: {  	s28 =	sadd.s32 $0x20, s12;
	s11 =	sor.u32 s13, s14  }
0x5d: {  	[hbm4b:s28+s3] =	stream.linear.scatter [tilespmem:s11], [sflag:$0x1], $0x80, $0x38;
	[tilespmem:$0x1200] =	vst v63  }
0x5e: {  	s30 =	sadd.s32 $0xA0, s12;
	s29 =	sor.u32 $0x100, s11  }
0x5f: {  	[hbm4b:s30+s3] =	stream.linear.scatter [tilespmem:s29], [sflag:$0x1], $0x80, $0x38;
	[tilespmem:$0x1200] =	vst v63  }
0x60: {  	s0 =	sadd.s32 $0x120, s12;
	s31 =	sor.u32 $0x200, s11  }
0x61: {  	[hbm4b:s0+s3] =	stream.linear.scatter [tilespmem:s31], [sflag:$0x1], $0x80, $0x38;
	[tilespmem:$0x1200] =	vst v63  }
0x62: {  	s16 =	sadd.s32 $0x1A0, s12;
	s15 =	sor.u32 $0x300, s11  }
0x63: {  	(v2sf) =	vpush v0, $0x3;
	[hbm4b:s16+s3] =	stream.linear.scatter [tilespmem:s15], [sflag:$0x1], $0x80, $0x38;
	[tilespmem:$0x1200] =	vst v63  }
0x64: {  	s18 =	sadd.s32 $0x220, s12;
	s17 =	sor.u32 $0x400, s11  }
0x65: {  	[hbm4b:s18+s3] =	stream.linear.scatter [tilespmem:s17], [sflag:$0x1], $0x80, $0x38;
	[tilespmem:$0x1200] =	vst v63  }
0x66: {  	s20 =	sadd.s32 $0x2A0, s12;
	s19 =	sor.u32 $0x500, s11  }
0x67: {  	[hbm4b:s20+s3] =	stream.linear.scatter [tilespmem:s19], [sflag:$0x1], $0x80, $0x38;
	[tilespmem:$0x1200] =	vst v63  }
0x68: {  	s22 =	sadd.s32 $0x320, s12;
	s21 =	sor.u32 $0x600, s11  }
0x69: {  	[hbm4b:s22+s3] =	stream.linear.scatter [tilespmem:s21], [sflag:$0x1], $0x80, $0x38;
	[tilespmem:$0x1200] =	vst v63  }
0x6a: {  	s24 =	sadd.s32 $0x3A0, s12;
	s23 =	sor.u32 $0x700, s11  }
0x6b: {  	[hbm4b:s24+s3] =	stream.linear.scatter [tilespmem:s23], [sflag:$0x1], $0x80, $0x38;
	[tilespmem:$0x1200] =	vst v63  }
0x6c: {  	s26 =	sadd.s32 $0x420, s12;
	s25 =	sor.u32 $0x800, s11  }
0x6d: {  	[hbm4b:s26+s3] =	stream.linear.scatter [tilespmem:s25], [sflag:$0x1], $0x80, $0x38;
	[tilespmem:$0x1200] =	vst v63  }
0x6e: {  	s28 =	sor.u32 $0x900, s11;
	s29 =	sadd.s32 $0x4A0, s12  }
0x6f: {  	[hbm4b:s29+s3] =	stream.linear.scatter [tilespmem:s28], [sflag:$0x1], $0x80, $0x38;
	[tilespmem:$0x1200] =	vst v63  }
0x70: {  	s30 =	sor.u32 $0xA00, s11;
	s31 =	sadd.s32 $0x520, s12  }
0x71: {  	[hbm4b:s31+s3] =	stream.linear.scatter [tilespmem:s30], [sflag:$0x1], $0x80, $0x38;
	[tilespmem:$0x1200] =	vst v63  }
0x72: {  	s0 =	spop (v2sf);
	s17 =	sor.u32 $0xB00, s11;
	s18 =	sadd.s32 $0x5A0, s12  }
0x73: {  	[hbm4b:s18+s3] =	stream.linear.scatter [tilespmem:s17], [sflag:$0x1], $0x80, $0x38;
	[tilespmem:$0x1200] =	vst v63  }
0x74: {  	s13 =	sshll.u32 s0, $0x7;
	s20 =	sor.u32 $0xC00, s11;
	s21 =	sadd.s32 $0x620, s12  }
0x75: {  	[hbm4b:s21+s3] =	stream.linear.scatter [tilespmem:s20], [sflag:$0x1], $0x80, $0x38;
	[tilespmem:$0x1200] =	vst v63  }
0x76: {  	s13 =	sand.u32 $0x80, s13;
	s22 =	sor.u32 $0xD00, s11;
	s23 =	sadd.s32 $0x6A0, s12  }
0x77: {  	[hbm4b:s23+s3] =	stream.linear.scatter [tilespmem:s22], [sflag:$0x1], $0x80, $0x38;
	[tilespmem:$0x1200] =	vst v63  }
0x78: {  	s19 =	sshll.u32 s0, $0xB;
	s24 =	sor.u32 $0xE00, s11;
	s25 =	sadd.s32 $0x720, s12  }
0x79: {  	[hbm4b:s25+s3] =	stream.linear.scatter [tilespmem:s24], [sflag:$0x1], $0x80, $0x38;
	[tilespmem:$0x1200] =	vst v63  }
0x7a: {  	s14 =	sand.u32 $0xFFFFF000, s19;
	s11 =	sor.u32 $0xF00, s11;
	s26 =	sadd.s32 $0x7A0, s12  }
0x7b: {  	[hbm4b:s26+s3] =	stream.linear.scatter [tilespmem:s11], [sflag:$0x1], $0x80, $0x38;
	[tilespmem:$0x1200] =	vst v63  }
0x7c: {  	s13 =	sor.u32 s13, s14;
	s28 =	sadd.s32 $0x30, s12  }
0x7d: {  	[hbm4b:s28+s3] =	stream.linear.scatter [tilespmem:s13], [sflag:$0x1], $0x80, $0x38;
	[tilespmem:$0x1200] =	vst v63  }
0x7e: {  	s29 =	sor.u32 $0x100, s13;
	s30 =	sadd.s32 $0xB0, s12  }
0x7f: {  	[hbm4b:s30+s3] =	stream.linear.scatter [tilespmem:s29], [sflag:$0x1], $0x80, $0x38;
	[tilespmem:$0x1200] =	vst v63  }
0x80: {  	s0 =	sadd.s32 $0x130, s12;
	s31 =	sor.u32 $0x200, s13  }
0x81: {  	[hbm4b:s0+s3] =	stream.linear.scatter [tilespmem:s31], [sflag:$0x1], $0x80, $0x38;
	[tilespmem:$0x1200] =	vst v63  }
0x82: {  	s16 =	sadd.s32 $0x1B0, s12;
	s15 =	sor.u32 $0x300, s13  }
0x83: {  	(v2sf) =	vpush v0, $0x4;
	[hbm4b:s16+s3] =	stream.linear.scatter [tilespmem:s15], [sflag:$0x1], $0x80, $0x38;
	[tilespmem:$0x1200] =	vst v63  }
0x84: {  	s17 =	sor.u32 $0x400, s13;
	s18 =	sadd.s32 $0x230, s12  }
0x85: {  	[hbm4b:s18+s3] =	stream.linear.scatter [tilespmem:s17], [sflag:$0x1], $0x80, $0x38;
	[tilespmem:$0x1200] =	vst v63  }
0x86: {  	s19 =	sor.u32 $0x500, s13;
	s20 =	sadd.s32 $0x2B0, s12  }
0x87: {  	[hbm4b:s20+s3] =	stream.linear.scatter [tilespmem:s19], [sflag:$0x1], $0x80, $0x38;
	[tilespmem:$0x1200] =	vst v63  }
0x88: {  	s21 =	sor.u32 $0x600, s13;
	s22 =	sadd.s32 $0x330, s12  }
0x89: {  	[hbm4b:s22+s3] =	stream.linear.scatter [tilespmem:s21], [sflag:$0x1], $0x80, $0x38;
	[tilespmem:$0x1200] =	vst v63  }
0x8a: {  	s23 =	sor.u32 $0x700, s13;
	s24 =	sadd.s32 $0x3B0, s12  }
0x8b: {  	[hbm4b:s24+s3] =	stream.linear.scatter [tilespmem:s23], [sflag:$0x1], $0x80, $0x38;
	[tilespmem:$0x1200] =	vst v63  }
0x8c: {  	s25 =	sor.u32 $0x800, s13;
	s26 =	sadd.s32 $0x430, s12  }
0x8d: {  	[hbm4b:s26+s3] =	stream.linear.scatter [tilespmem:s25], [sflag:$0x1], $0x80, $0x38;
	[tilespmem:$0x1200] =	vst v63  }
0x8e: {  	s28 =	sor.u32 $0x900, s13;
	s29 =	sadd.s32 $0x4B0, s12  }
0x8f: {  	[hbm4b:s29+s3] =	stream.linear.scatter [tilespmem:s28], [sflag:$0x1], $0x80, $0x38;
	[tilespmem:$0x1200] =	vst v63  }
0x90: {  	s30 =	sor.u32 $0xA00, s13;
	s31 =	sadd.s32 $0x530, s12  }
0x91: {  	[hbm4b:s31+s3] =	stream.linear.scatter [tilespmem:s30], [sflag:$0x1], $0x80, $0x38;
	[tilespmem:$0x1200] =	vst v63  }
0x92: {  	s0 =	spop (v2sf);
	s17 =	sor.u32 $0xB00, s13;
	s18 =	sadd.s32 $0x5B0, s12  }
0x93: {  	[hbm4b:s18+s3] =	stream.linear.scatter [tilespmem:s17], [sflag:$0x1], $0x80, $0x38;
	[tilespmem:$0x1200] =	vst v63  }
0x94: {  	s11 =	sshll.u32 s0, $0x7;
	s20 =	sor.u32 $0xC00, s13;
	s21 =	sadd.s32 $0x630, s12  }
0x95: {  	[hbm4b:s21+s3] =	stream.linear.scatter [tilespmem:s20], [sflag:$0x1], $0x80, $0x38;
	[tilespmem:$0x1200] =	vst v63  }
0x96: {  	s11 =	sand.u32 $0x80, s11;
	s22 =	sor.u32 $0xD00, s13;
	s23 =	sadd.s32 $0x6B0, s12  }
0x97: {  	[hbm4b:s23+s3] =	stream.linear.scatter [tilespmem:s22], [sflag:$0x1], $0x80, $0x38;
	[tilespmem:$0x1200] =	vst v63  }
0x98: {  	s19 =	sshll.u32 s0, $0xB;
	s24 =	sor.u32 $0xE00, s13;
	s25 =	sadd.s32 $0x730, s12  }
0x99: {  	[hbm4b:s25+s3] =	stream.linear.scatter [tilespmem:s24], [sflag:$0x1], $0x80, $0x38;
	[tilespmem:$0x1200] =	vst v63  }
0x9a: {  	s14 =	sand.u32 $0xFFFFF000, s19;
	s13 =	sor.u32 $0xF00, s13;
	s26 =	sadd.s32 $0x7B0, s12  }
0x9b: {  	[hbm4b:s26+s3] =	stream.linear.scatter [tilespmem:s13], [sflag:$0x1], $0x80, $0x38;
	[tilespmem:$0x1200] =	vst v63  }
0x9c: {  	s11 =	sor.u32 s11, s14;
	s28 =	sadd.s32 $0x40, s12  }
0x9d: {  	[hbm4b:s28+s3] =	stream.linear.scatter [tilespmem:s11], [sflag:$0x1], $0x80, $0x38;
	[tilespmem:$0x1200] =	vst v63  }
0x9e: {  	s29 =	sor.u32 $0x100, s11;
	s30 =	sadd.s32 $0xC0, s12  }
0x9f: {  	[hbm4b:s30+s3] =	stream.linear.scatter [tilespmem:s29], [sflag:$0x1], $0x80, $0x38;
	[tilespmem:$0x1200] =	vst v63  }
0xa0: {  	s0 =	sadd.s32 $0x140, s12;
	s31 =	sor.u32 $0x200, s11  }
0xa1: {  	[hbm4b:s0+s3] =	stream.linear.scatter [tilespmem:s31], [sflag:$0x1], $0x80, $0x38;
	[tilespmem:$0x1200] =	vst v63  }
0xa2: {  	s16 =	sadd.s32 $0x1C0, s12;
	s15 =	sor.u32 $0x300, s11  }
0xa3: {  	(v2sf) =	vpush v0, $0x5;
	[hbm4b:s16+s3] =	stream.linear.scatter [tilespmem:s15], [sflag:$0x1], $0x80, $0x38;
	[tilespmem:$0x1200] =	vst v63  }
0xa4: {  	s17 =	sor.u32 $0x400, s11;
	s18 =	sadd.s32 $0x240, s12  }
0xa5: {  	[hbm4b:s18+s3] =	stream.linear.scatter [tilespmem:s17], [sflag:$0x1], $0x80, $0x38;
	[tilespmem:$0x1200] =	vst v63  }
0xa6: {  	s19 =	sor.u32 $0x500, s11;
	s20 =	sadd.s32 $0x2C0, s12  }
0xa7: {  	[hbm4b:s20+s3] =	stream.linear.scatter [tilespmem:s19], [sflag:$0x1], $0x80, $0x38;
	[tilespmem:$0x1200] =	vst v63  }
0xa8: {  	s21 =	sor.u32 $0x600, s11;
	s22 =	sadd.s32 $0x340, s12  }
0xa9: {  	[hbm4b:s22+s3] =	stream.linear.scatter [tilespmem:s21], [sflag:$0x1], $0x80, $0x38;
	[tilespmem:$0x1200] =	vst v63  }
0xaa: {  	s23 =	sor.u32 $0x700, s11;
	s24 =	sadd.s32 $0x3C0, s12  }
0xab: {  	[hbm4b:s24+s3] =	stream.linear.scatter [tilespmem:s23], [sflag:$0x1], $0x80, $0x38;
	[tilespmem:$0x1200] =	vst v63  }
0xac: {  	s25 =	sor.u32 $0x800, s11;
	s26 =	sadd.s32 $0x440, s12  }
0xad: {  	[hbm4b:s26+s3] =	stream.linear.scatter [tilespmem:s25], [sflag:$0x1], $0x80, $0x38;
	[tilespmem:$0x1200] =	vst v63  }
0xae: {  	s28 =	sor.u32 $0x900, s11;
	s29 =	sadd.s32 $0x4C0, s12  }
0xaf: {  	[hbm4b:s29+s3] =	stream.linear.scatter [tilespmem:s28], [sflag:$0x1], $0x80, $0x38;
	[tilespmem:$0x1200] =	vst v63  }
0xb0: {  	s30 =	sor.u32 $0xA00, s11;
	s31 =	sadd.s32 $0x540, s12  }
0xb1: {  	[hbm4b:s31+s3] =	stream.linear.scatter [tilespmem:s30], [sflag:$0x1], $0x80, $0x38;
	[tilespmem:$0x1200] =	vst v63  }
0xb2: {  	s0 =	spop (v2sf);
	s17 =	sor.u32 $0xB00, s11;
	s18 =	sadd.s32 $0x5C0, s12  }
0xb3: {  	[hbm4b:s18+s3] =	stream.linear.scatter [tilespmem:s17], [sflag:$0x1], $0x80, $0x38;
	[tilespmem:$0x1200] =	vst v63  }
0xb4: {  	s13 =	sshll.u32 s0, $0x7;
	s20 =	sor.u32 $0xC00, s11;
	s21 =	sadd.s32 $0x640, s12  }
0xb5: {  	[hbm4b:s21+s3] =	stream.linear.scatter [tilespmem:s20], [sflag:$0x1], $0x80, $0x38;
	[tilespmem:$0x1200] =	vst v63  }
0xb6: {  	s13 =	sand.u32 $0x80, s13;
	s22 =	sor.u32 $0xD00, s11;
	s23 =	sadd.s32 $0x6C0, s12  }
0xb7: {  	[hbm4b:s23+s3] =	stream.linear.scatter [tilespmem:s22], [sflag:$0x1], $0x80, $0x38;
	[tilespmem:$0x1200] =	vst v63  }
0xb8: {  	s19 =	sshll.u32 s0, $0xB;
	s24 =	sor.u32 $0xE00, s11;
	s25 =	sadd.s32 $0x740, s12  }
0xb9: {  	[hbm4b:s25+s3] =	stream.linear.scatter [tilespmem:s24], [sflag:$0x1], $0x80, $0x38;
	[tilespmem:$0x1200] =	vst v63  }
0xba: {  	s14 =	sand.u32 $0xFFFFF000, s19;
	s11 =	sor.u32 $0xF00, s11;
	s26 =	sadd.s32 $0x7C0, s12  }
0xbb: {  	[hbm4b:s26+s3] =	stream.linear.scatter [tilespmem:s11], [sflag:$0x1], $0x80, $0x38;
	[tilespmem:$0x1200] =	vst v63  }
0xbc: {  	s28 =	sadd.s32 $0x50, s12;
	s11 =	sor.u32 s13, s14  }
0xbd: {  	[hbm4b:s28+s3] =	stream.linear.scatter [tilespmem:s11], [sflag:$0x1], $0x80, $0x38;
	[tilespmem:$0x1200] =	vst v63  }
0xbe: {  	s30 =	sadd.s32 $0xD0, s12;
	s29 =	sor.u32 $0x100, s11  }
0xbf: {  	[hbm4b:s30+s3] =	stream.linear.scatter [tilespmem:s29], [sflag:$0x1], $0x80, $0x38;
	[tilespmem:$0x1200] =	vst v63  }
0xc0: {  	s0 =	sadd.s32 $0x150, s12;
	s31 =	sor.u32 $0x200, s11  }
0xc1: {  	[hbm4b:s0+s3] =	stream.linear.scatter [tilespmem:s31], [sflag:$0x1], $0x80, $0x38;
	[tilespmem:$0x1200] =	vst v63  }
0xc2: {  	s16 =	sadd.s32 $0x1D0, s12;
	s15 =	sor.u32 $0x300, s11  }
0xc3: {  	(v2sf) =	vpush v0, $0x6;
	[hbm4b:s16+s3] =	stream.linear.scatter [tilespmem:s15], [sflag:$0x1], $0x80, $0x38;
	[tilespmem:$0x1200] =	vst v63  }
0xc4: {  	s18 =	sadd.s32 $0x250, s12;
	s17 =	sor.u32 $0x400, s11  }
0xc5: {  	[hbm4b:s18+s3] =	stream.linear.scatter [tilespmem:s17], [sflag:$0x1], $0x80, $0x38;
	[tilespmem:$0x1200] =	vst v63  }
0xc6: {  	s20 =	sadd.s32 $0x2D0, s12;
	s19 =	sor.u32 $0x500, s11  }
0xc7: {  	[hbm4b:s20+s3] =	stream.linear.scatter [tilespmem:s19], [sflag:$0x1], $0x80, $0x38;
	[tilespmem:$0x1200] =	vst v63  }
0xc8: {  	s22 =	sadd.s32 $0x350, s12;
	s21 =	sor.u32 $0x600, s11  }
0xc9: {  	[hbm4b:s22+s3] =	stream.linear.scatter [tilespmem:s21], [sflag:$0x1], $0x80, $0x38;
	[tilespmem:$0x1200] =	vst v63  }
0xca: {  	s24 =	sadd.s32 $0x3D0, s12;
	s23 =	sor.u32 $0x700, s11  }
0xcb: {  	[hbm4b:s24+s3] =	stream.linear.scatter [tilespmem:s23], [sflag:$0x1], $0x80, $0x38;
	[tilespmem:$0x1200] =	vst v63  }
0xcc: {  	s26 =	sadd.s32 $0x450, s12;
	s25 =	sor.u32 $0x800, s11  }
0xcd: {  	[hbm4b:s26+s3] =	stream.linear.scatter [tilespmem:s25], [sflag:$0x1], $0x80, $0x38;
	[tilespmem:$0x1200] =	vst v63  }
0xce: {  	s28 =	sor.u32 $0x900, s11;
	s29 =	sadd.s32 $0x4D0, s12  }
0xcf: {  	[hbm4b:s29+s3] =	stream.linear.scatter [tilespmem:s28], [sflag:$0x1], $0x80, $0x38;
	[tilespmem:$0x1200] =	vst v63  }
0xd0: {  	s30 =	sor.u32 $0xA00, s11;
	s31 =	sadd.s32 $0x550, s12  }
0xd1: {  	[hbm4b:s31+s3] =	stream.linear.scatter [tilespmem:s30], [sflag:$0x1], $0x80, $0x38;
	[tilespmem:$0x1200] =	vst v63  }
0xd2: {  	s0 =	spop (v2sf);
	s17 =	sor.u32 $0xB00, s11;
	s18 =	sadd.s32 $0x5D0, s12  }
0xd3: {  	[hbm4b:s18+s3] =	stream.linear.scatter [tilespmem:s17], [sflag:$0x1], $0x80, $0x38;
	[tilespmem:$0x1200] =	vst v63  }
0xd4: {  	s13 =	sshll.u32 s0, $0x7;
	s20 =	sor.u32 $0xC00, s11;
	s21 =	sadd.s32 $0x650, s12  }
0xd5: {  	[hbm4b:s21+s3] =	stream.linear.scatter [tilespmem:s20], [sflag:$0x1], $0x80, $0x38;
	[tilespmem:$0x1200] =	vst v63  }
0xd6: {  	s13 =	sand.u32 $0x80, s13;
	s22 =	sor.u32 $0xD00, s11;
	s23 =	sadd.s32 $0x6D0, s12  }
0xd7: {  	[hbm4b:s23+s3] =	stream.linear.scatter [tilespmem:s22], [sflag:$0x1], $0x80, $0x38;
	[tilespmem:$0x1200] =	vst v63  }
0xd8: {  	s19 =	sshll.u32 s0, $0xB;
	s24 =	sor.u32 $0xE00, s11;
	s25 =	sadd.s32 $0x750, s12  }
0xd9: {  	[hbm4b:s25+s3] =	stream.linear.scatter [tilespmem:s24], [sflag:$0x1], $0x80, $0x38;
	[tilespmem:$0x1200] =	vst v63  }
0xda: {  	s14 =	sand.u32 $0xFFFFF000, s19;
	s11 =	sor.u32 $0xF00, s11;
	s26 =	sadd.s32 $0x7D0, s12  }
0xdb: {  	[hbm4b:s26+s3] =	stream.linear.scatter [tilespmem:s11], [sflag:$0x1], $0x80, $0x38;
	[tilespmem:$0x1200] =	vst v63  }
0xdc: {  	s13 =	sor.u32 s13, s14;
	s28 =	sadd.s32 $0x60, s12  }
0xdd: {  	[hbm4b:s28+s3] =	stream.linear.scatter [tilespmem:s13], [sflag:$0x1], $0x80, $0x38;
	[tilespmem:$0x1200] =	vst v63  }
0xde: {  	s29 =	sor.u32 $0x100, s13;
	s30 =	sadd.s32 $0xE0, s12  }
0xdf: {  	[hbm4b:s30+s3] =	stream.linear.scatter [tilespmem:s29], [sflag:$0x1], $0x80, $0x38;
	[tilespmem:$0x1200] =	vst v63  }
0xe0: {  	s0 =	sadd.s32 $0x160, s12;
	s31 =	sor.u32 $0x200, s13  }
0xe1: {  	[hbm4b:s0+s3] =	stream.linear.scatter [tilespmem:s31], [sflag:$0x1], $0x80, $0x38;
	[tilespmem:$0x1200] =	vst v63  }
0xe2: {  	s16 =	sadd.s32 $0x1E0, s12;
	s15 =	sor.u32 $0x300, s13  }
0xe3: {  	(v2sf) =	vpush v0, $0x7;
	[hbm4b:s16+s3] =	stream.linear.scatter [tilespmem:s15], [sflag:$0x1], $0x80, $0x38;
	[tilespmem:$0x1200] =	vst v63  }
0xe4: {  	s17 =	sor.u32 $0x400, s13;
	s18 =	sadd.s32 $0x260, s12  }
0xe5: {  	[hbm4b:s18+s3] =	stream.linear.scatter [tilespmem:s17], [sflag:$0x1], $0x80, $0x38;
	[tilespmem:$0x1200] =	vst v63  }
0xe6: {  	s19 =	sor.u32 $0x500, s13;
	s20 =	sadd.s32 $0x2E0, s12  }
0xe7: {  	[hbm4b:s20+s3] =	stream.linear.scatter [tilespmem:s19], [sflag:$0x1], $0x80, $0x38;
	[tilespmem:$0x1200] =	vst v63  }
0xe8: {  	s21 =	sor.u32 $0x600, s13;
	s22 =	sadd.s32 $0x360, s12  }
0xe9: {  	[hbm4b:s22+s3] =	stream.linear.scatter [tilespmem:s21], [sflag:$0x1], $0x80, $0x38;
	[tilespmem:$0x1200] =	vst v63  }
0xea: {  	s23 =	sor.u32 $0x700, s13;
	s24 =	sadd.s32 $0x3E0, s12  }
0xeb: {  	[hbm4b:s24+s3] =	stream.linear.scatter [tilespmem:s23], [sflag:$0x1], $0x80, $0x38;
	[tilespmem:$0x1200] =	vst v63  }
0xec: {  	s25 =	sor.u32 $0x800, s13;
	s26 =	sadd.s32 $0x460, s12  }
0xed: {  	[hbm4b:s26+s3] =	stream.linear.scatter [tilespmem:s25], [sflag:$0x1], $0x80, $0x38;
	[tilespmem:$0x1200] =	vst v63  }
0xee: {  	s28 =	sor.u32 $0x900, s13;
	s29 =	sadd.s32 $0x4E0, s12  }
0xef: {  	[hbm4b:s29+s3] =	stream.linear.scatter [tilespmem:s28], [sflag:$0x1], $0x80, $0x38;
	[tilespmem:$0x1200] =	vst v63  }
0xf0: {  	s30 =	sor.u32 $0xA00, s13;
	s31 =	sadd.s32 $0x560, s12  }
0xf1: {  	[hbm4b:s31+s3] =	stream.linear.scatter [tilespmem:s30], [sflag:$0x1], $0x80, $0x38;
	[tilespmem:$0x1200] =	vst v63  }
0xf2: {  	s0 =	spop (v2sf);
	s17 =	sor.u32 $0xB00, s13;
	s18 =	sadd.s32 $0x5E0, s12  }
0xf3: {  	[hbm4b:s18+s3] =	stream.linear.scatter [tilespmem:s17], [sflag:$0x1], $0x80, $0x38;
	[tilespmem:$0x1200] =	vst v63  }
0xf4: {  	s11 =	sshll.u32 s0, $0x7;
	s20 =	sor.u32 $0xC00, s13;
	s21 =	sadd.s32 $0x660, s12  }
0xf5: {  	[hbm4b:s21+s3] =	stream.linear.scatter [tilespmem:s20], [sflag:$0x1], $0x80, $0x38;
	[tilespmem:$0x1200] =	vst v63  }
0xf6: {  	s11 =	sand.u32 $0x80, s11;
	s22 =	sor.u32 $0xD00, s13;
	s23 =	sadd.s32 $0x6E0, s12  }
0xf7: {  	[hbm4b:s23+s3] =	stream.linear.scatter [tilespmem:s22], [sflag:$0x1], $0x80, $0x38;
	[tilespmem:$0x1200] =	vst v63  }
0xf8: {  	s19 =	sshll.u32 s0, $0xB;
	s24 =	sor.u32 $0xE00, s13;
	s25 =	sadd.s32 $0x760, s12  }
0xf9: {  	[hbm4b:s25+s3] =	stream.linear.scatter [tilespmem:s24], [sflag:$0x1], $0x80, $0x38;
	[tilespmem:$0x1200] =	vst v63  }
0xfa: {  	s14 =	sand.u32 $0xFFFFF000, s19;
	s13 =	sor.u32 $0xF00, s13;
	s26 =	sadd.s32 $0x7E0, s12  }
0xfb: {  	[hbm4b:s26+s3] =	stream.linear.scatter [tilespmem:s13], [sflag:$0x1], $0x80, $0x38;
	[tilespmem:$0x1200] =	vst v63  }
0xfc: {  	s11 =	sor.u32 s11, s14;
	s28 =	sadd.s32 $0x70, s12  }
0xfd: {  	[hbm4b:s28+s3] =	stream.linear.scatter [tilespmem:s11], [sflag:$0x1], $0x80, $0x38;
	[tilespmem:$0x1200] =	vst v63  }
0xfe: {  	s29 =	sor.u32 $0x100, s11;
	s30 =	sadd.s32 $0xF0, s12  }
0xff: {  	[hbm4b:s30+s3] =	stream.linear.scatter [tilespmem:s29], [sflag:$0x1], $0x80, $0x38;
	[tilespmem:$0x1200] =	vst v63  }
0x100: {  	s0 =	sadd.s32 $0x170, s12;
	s31 =	sor.u32 $0x200, s11  }
0x101: {  	[hbm4b:s0+s3] =	stream.linear.scatter [tilespmem:s31], [sflag:$0x1], $0x80, $0x38;
	[tilespmem:$0x1200] =	vst v63  }
0x102: {  	s16 =	sadd.s32 $0x1F0, s12;
	s15 =	sor.u32 $0x300, s11  }
0x103: {  	(v2sf) =	vpush v0, $0x8;
	[hbm4b:s16+s3] =	stream.linear.scatter [tilespmem:s15], [sflag:$0x1], $0x80, $0x38;
	[tilespmem:$0x1200] =	vst v63  }
0x104: {  	s17 =	sor.u32 $0x400, s11;
	s18 =	sadd.s32 $0x270, s12  }
0x105: {  	[hbm4b:s18+s3] =	stream.linear.scatter [tilespmem:s17], [sflag:$0x1], $0x80, $0x38;
	[tilespmem:$0x1200] =	vst v63  }
0x106: {  	s19 =	sor.u32 $0x500, s11;
	s20 =	sadd.s32 $0x2F0, s12  }
0x107: {  	[hbm4b:s20+s3] =	stream.linear.scatter [tilespmem:s19], [sflag:$0x1], $0x80, $0x38;
	[tilespmem:$0x1200] =	vst v63  }
0x108: {  	s21 =	sor.u32 $0x600, s11;
	s22 =	sadd.s32 $0x370, s12  }
0x109: {  	[hbm4b:s22+s3] =	stream.linear.scatter [tilespmem:s21], [sflag:$0x1], $0x80, $0x38;
	[tilespmem:$0x1200] =	vst v63  }
0x10a: {  	s23 =	sor.u32 $0x700, s11;
	s24 =	sadd.s32 $0x3F0, s12  }
0x10b: {  	[hbm4b:s24+s3] =	stream.linear.scatter [tilespmem:s23], [sflag:$0x1], $0x80, $0x38;
	[tilespmem:$0x1200] =	vst v63  }
0x10c: {  	s25 =	sor.u32 $0x800, s11;
	s26 =	sadd.s32 $0x470, s12  }
0x10d: {  	[hbm4b:s26+s3] =	stream.linear.scatter [tilespmem:s25], [sflag:$0x1], $0x80, $0x38;
	[tilespmem:$0x1200] =	vst v63  }
0x10e: {  	s28 =	sor.u32 $0x900, s11;
	s29 =	sadd.s32 $0x4F0, s12  }
0x10f: {  	[hbm4b:s29+s3] =	stream.linear.scatter [tilespmem:s28], [sflag:$0x1], $0x80, $0x38;
	[tilespmem:$0x1200] =	vst v63  }
0x110: {  	s30 =	sor.u32 $0xA00, s11;
	s31 =	sadd.s32 $0x570, s12  }
0x111: {  	[hbm4b:s31+s3] =	stream.linear.scatter [tilespmem:s30], [sflag:$0x1], $0x80, $0x38;
	[tilespmem:$0x1200] =	vst v63  }
0x112: {  	s0 =	spop (v2sf);
	s17 =	sor.u32 $0xB00, s11;
	s18 =	sadd.s32 $0x5F0, s12  }
0x113: {  	[hbm4b:s18+s3] =	stream.linear.scatter [tilespmem:s17], [sflag:$0x1], $0x80, $0x38;
	[tilespmem:$0x1200] =	vst v63  }
0x114: {  	s13 =	sshll.u32 s0, $0x7;
	s20 =	sor.u32 $0xC00, s11;
	s21 =	sadd.s32 $0x670, s12  }
0x115: {  	[hbm4b:s21+s3] =	stream.linear.scatter [tilespmem:s20], [sflag:$0x1], $0x80, $0x38;
	[tilespmem:$0x1200] =	vst v63  }
0x116: {  	s13 =	sand.u32 $0x80, s13;
	s22 =	sor.u32 $0xD00, s11;
	s23 =	sadd.s32 $0x6F0, s12  }
0x117: {  	[hbm4b:s23+s3] =	stream.linear.scatter [tilespmem:s22], [sflag:$0x1], $0x80, $0x38;
	[tilespmem:$0x1200] =	vst v63  }
0x118: {  	s19 =	sshll.u32 s0, $0xB;
	s24 =	sor.u32 $0xE00, s11;
	s25 =	sadd.s32 $0x770, s12  }
0x119: {  	[hbm4b:s25+s3] =	stream.linear.scatter [tilespmem:s24], [sflag:$0x1], $0x80, $0x38;
	[tilespmem:$0x1200] =	vst v63  }
0x11a: {  	s14 =	sand.u32 $0xFFFFF000, s19;
	s11 =	sor.u32 $0xF00, s11;
	s26 =	sadd.s32 $0x7F0, s12  }
0x11b: {  	[hbm4b:s26+s3] =	stream.linear.scatter [tilespmem:s11], [sflag:$0x1], $0x80, $0x38;
	[tilespmem:$0x1200] =	vst v63  }
0x11c: {  	s28 =	sadd.s32 $0x800, s12;
	s11 =	sor.u32 s13, s14  }
0x11d: {  	[hbm4b:s28+s3] =	stream.linear.scatter [tilespmem:s11], [sflag:$0x1], $0x80, $0x38;
	[tilespmem:$0x1200] =	vst v63  }
0x11e: {  	s30 =	sadd.s32 $0x880, s12;
	s29 =	sor.u32 $0x100, s11  }
0x11f: {  	[hbm4b:s30+s3] =	stream.linear.scatter [tilespmem:s29], [sflag:$0x1], $0x80, $0x38;
	[tilespmem:$0x1200] =	vst v63  }
0x120: {  	s0 =	sadd.s32 $0x900, s12;
	s31 =	sor.u32 $0x200, s11  }
0x121: {  	[hbm4b:s0+s3] =	stream.linear.scatter [tilespmem:s31], [sflag:$0x1], $0x80, $0x38;
	[tilespmem:$0x1200] =	vst v63  }
0x122: {  	s16 =	sadd.s32 $0x980, s12;
	s15 =	sor.u32 $0x300, s11  }
0x123: {  	(v2sf) =	vpush v0, $0x9;
	[hbm4b:s16+s3] =	stream.linear.scatter [tilespmem:s15], [sflag:$0x1], $0x80, $0x38;
	[tilespmem:$0x1200] =	vst v63  }
0x124: {  	s18 =	sadd.s32 $0xA00, s12;
	s17 =	sor.u32 $0x400, s11  }
0x125: {  	[hbm4b:s18+s3] =	stream.linear.scatter [tilespmem:s17], [sflag:$0x1], $0x80, $0x38;
	[tilespmem:$0x1200] =	vst v63  }
0x126: {  	s20 =	sadd.s32 $0xA80, s12;
	s19 =	sor.u32 $0x500, s11  }
0x127: {  	[hbm4b:s20+s3] =	stream.linear.scatter [tilespmem:s19], [sflag:$0x1], $0x80, $0x38;
	[tilespmem:$0x1200] =	vst v63  }
0x128: {  	s22 =	sadd.s32 $0xB00, s12;
	s21 =	sor.u32 $0x600, s11  }
0x129: {  	[hbm4b:s22+s3] =	stream.linear.scatter [tilespmem:s21], [sflag:$0x1], $0x80, $0x38;
	[tilespmem:$0x1200] =	vst v63  }
0x12a: {  	s24 =	sadd.s32 $0xB80, s12;
	s23 =	sor.u32 $0x700, s11  }
0x12b: {  	[hbm4b:s24+s3] =	stream.linear.scatter [tilespmem:s23], [sflag:$0x1], $0x80, $0x38;
	[tilespmem:$0x1200] =	vst v63  }
0x12c: {  	s26 =	sadd.s32 $0xC00, s12;
	s25 =	sor.u32 $0x800, s11  }
0x12d: {  	[hbm4b:s26+s3] =	stream.linear.scatter [tilespmem:s25], [sflag:$0x1], $0x80, $0x38;
	[tilespmem:$0x1200] =	vst v63  }
0x12e: {  	s28 =	sor.u32 $0x900, s11;
	s29 =	sadd.s32 $0xC80, s12  }
0x12f: {  	[hbm4b:s29+s3] =	stream.linear.scatter [tilespmem:s28], [sflag:$0x1], $0x80, $0x38;
	[tilespmem:$0x1200] =	vst v63  }
0x130: {  	s30 =	sor.u32 $0xA00, s11;
	s31 =	sadd.s32 $0xD00, s12  }
0x131: {  	[hbm4b:s31+s3] =	stream.linear.scatter [tilespmem:s30], [sflag:$0x1], $0x80, $0x38;
	[tilespmem:$0x1200] =	vst v63  }
0x132: {  	s0 =	spop (v2sf);
	s17 =	sor.u32 $0xB00, s11;
	s18 =	sadd.s32 $0xD80, s12  }
0x133: {  	[hbm4b:s18+s3] =	stream.linear.scatter [tilespmem:s17], [sflag:$0x1], $0x80, $0x38;
	[tilespmem:$0x1200] =	vst v63  }
0x134: {  	s13 =	sshll.u32 s0, $0x7;
	s20 =	sor.u32 $0xC00, s11;
	s21 =	sadd.s32 $0xE00, s12  }
0x135: {  	[hbm4b:s21+s3] =	stream.linear.scatter [tilespmem:s20], [sflag:$0x1], $0x80, $0x38;
	[tilespmem:$0x1200] =	vst v63  }
0x136: {  	s13 =	sand.u32 $0x80, s13;
	s22 =	sor.u32 $0xD00, s11;
	s23 =	sadd.s32 $0xE80, s12  }
0x137: {  	[hbm4b:s23+s3] =	stream.linear.scatter [tilespmem:s22], [sflag:$0x1], $0x80, $0x38;
	[tilespmem:$0x1200] =	vst v63  }
0x138: {  	s19 =	sshll.u32 s0, $0xB;
	s24 =	sor.u32 $0xE00, s11;
	s25 =	sadd.s32 $0xF00, s12  }
0x139: {  	[hbm4b:s25+s3] =	stream.linear.scatter [tilespmem:s24], [sflag:$0x1], $0x80, $0x38;
	[tilespmem:$0x1200] =	vst v63  }
0x13a: {  	s14 =	sand.u32 $0xFFFFF000, s19;
	s11 =	sor.u32 $0xF00, s11;
	s26 =	sadd.s32 $0xF80, s12  }
0x13b: {  	[hbm4b:s26+s3] =	stream.linear.scatter [tilespmem:s11], [sflag:$0x1], $0x80, $0x38;
	[tilespmem:$0x1200] =	vst v63  }
0x13c: {  	s13 =	sor.u32 s13, s14;
	s28 =	sadd.s32 $0x810, s12  }
0x13d: {  	[hbm4b:s28+s3] =	stream.linear.scatter [tilespmem:s13], [sflag:$0x1], $0x80, $0x38;
	[tilespmem:$0x1200] =	vst v63  }
0x13e: {  	s29 =	sor.u32 $0x100, s13;
	s30 =	sadd.s32 $0x890, s12  }
0x13f: {  	[hbm4b:s30+s3] =	stream.linear.scatter [tilespmem:s29], [sflag:$0x1], $0x80, $0x38;
	[tilespmem:$0x1200] =	vst v63  }
0x140: {  	s0 =	sadd.s32 $0x910, s12;
	s31 =	sor.u32 $0x200, s13  }
0x141: {  	[hbm4b:s0+s3] =	stream.linear.scatter [tilespmem:s31], [sflag:$0x1], $0x80, $0x38;
	[tilespmem:$0x1200] =	vst v63  }
0x142: {  	s16 =	sadd.s32 $0x990, s12;
	s15 =	sor.u32 $0x300, s13  }
0x143: {  	(v2sf) =	vpush v0, $0xA;
	[hbm4b:s16+s3] =	stream.linear.scatter [tilespmem:s15], [sflag:$0x1], $0x80, $0x38;
	[tilespmem:$0x1200] =	vst v63  }
0x144: {  	s17 =	sor.u32 $0x400, s13;
	s18 =	sadd.s32 $0xA10, s12  }
0x145: {  	[hbm4b:s18+s3] =	stream.linear.scatter [tilespmem:s17], [sflag:$0x1], $0x80, $0x38;
	[tilespmem:$0x1200] =	vst v63  }
0x146: {  	s19 =	sor.u32 $0x500, s13;
	s20 =	sadd.s32 $0xA90, s12  }
0x147: {  	[hbm4b:s20+s3] =	stream.linear.scatter [tilespmem:s19], [sflag:$0x1], $0x80, $0x38;
	[tilespmem:$0x1200] =	vst v63  }
0x148: {  	s21 =	sor.u32 $0x600, s13;
	s22 =	sadd.s32 $0xB10, s12  }
0x149: {  	[hbm4b:s22+s3] =	stream.linear.scatter [tilespmem:s21], [sflag:$0x1], $0x80, $0x38;
	[tilespmem:$0x1200] =	vst v63  }
0x14a: {  	s23 =	sor.u32 $0x700, s13;
	s24 =	sadd.s32 $0xB90, s12  }
0x14b: {  	[hbm4b:s24+s3] =	stream.linear.scatter [tilespmem:s23], [sflag:$0x1], $0x80, $0x38;
	[tilespmem:$0x1200] =	vst v63  }
0x14c: {  	s25 =	sor.u32 $0x800, s13;
	s26 =	sadd.s32 $0xC10, s12  }
0x14d: {  	[hbm4b:s26+s3] =	stream.linear.scatter [tilespmem:s25], [sflag:$0x1], $0x80, $0x38;
	[tilespmem:$0x1200] =	vst v63  }
0x14e: {  	s28 =	sor.u32 $0x900, s13;
	s29 =	sadd.s32 $0xC90, s12  }
0x14f: {  	[hbm4b:s29+s3] =	stream.linear.scatter [tilespmem:s28], [sflag:$0x1], $0x80, $0x38;
	[tilespmem:$0x1200] =	vst v63  }
0x150: {  	s30 =	sor.u32 $0xA00, s13;
	s31 =	sadd.s32 $0xD10, s12  }
0x151: {  	[hbm4b:s31+s3] =	stream.linear.scatter [tilespmem:s30], [sflag:$0x1], $0x80, $0x38;
	[tilespmem:$0x1200] =	vst v63  }
0x152: {  	s0 =	spop (v2sf);
	s17 =	sor.u32 $0xB00, s13;
	s18 =	sadd.s32 $0xD90, s12  }
0x153: {  	[hbm4b:s18+s3] =	stream.linear.scatter [tilespmem:s17], [sflag:$0x1], $0x80, $0x38;
	[tilespmem:$0x1200] =	vst v63  }
0x154: {  	s11 =	sshll.u32 s0, $0x7;
	s20 =	sor.u32 $0xC00, s13;
	s21 =	sadd.s32 $0xE10, s12  }
0x155: {  	[hbm4b:s21+s3] =	stream.linear.scatter [tilespmem:s20], [sflag:$0x1], $0x80, $0x38;
	[tilespmem:$0x1200] =	vst v63  }
0x156: {  	s11 =	sand.u32 $0x80, s11;
	s22 =	sor.u32 $0xD00, s13;
	s23 =	sadd.s32 $0xE90, s12  }
0x157: {  	[hbm4b:s23+s3] =	stream.linear.scatter [tilespmem:s22], [sflag:$0x1], $0x80, $0x38;
	[tilespmem:$0x1200] =	vst v63  }
0x158: {  	s19 =	sshll.u32 s0, $0xB;
	s24 =	sor.u32 $0xE00, s13;
	s25 =	sadd.s32 $0xF10, s12  }
0x159: {  	[hbm4b:s25+s3] =	stream.linear.scatter [tilespmem:s24], [sflag:$0x1], $0x80, $0x38;
	[tilespmem:$0x1200] =	vst v63  }
0x15a: {  	s14 =	sand.u32 $0xFFFFF000, s19;
	s13 =	sor.u32 $0xF00, s13;
	s26 =	sadd.s32 $0xF90, s12  }
0x15b: {  	[hbm4b:s26+s3] =	stream.linear.scatter [tilespmem:s13], [sflag:$0x1], $0x80, $0x38;
	[tilespmem:$0x1200] =	vst v63  }
0x15c: {  	s11 =	sor.u32 s11, s14;
	s28 =	sadd.s32 $0x820, s12  }
0x15d: {  	[hbm4b:s28+s3] =	stream.linear.scatter [tilespmem:s11], [sflag:$0x1], $0x80, $0x38;
	[tilespmem:$0x1200] =	vst v63  }
0x15e: {  	s29 =	sor.u32 $0x100, s11;
	s30 =	sadd.s32 $0x8A0, s12  }
0x15f: {  	[hbm4b:s30+s3] =	stream.linear.scatter [tilespmem:s29], [sflag:$0x1], $0x80, $0x38;
	[tilespmem:$0x1200] =	vst v63  }
0x160: {  	s0 =	sadd.s32 $0x920, s12;
	s31 =	sor.u32 $0x200, s11  }
0x161: {  	[hbm4b:s0+s3] =	stream.linear.scatter [tilespmem:s31], [sflag:$0x1], $0x80, $0x38;
	[tilespmem:$0x1200] =	vst v63  }
0x162: {  	s16 =	sadd.s32 $0x9A0, s12;
	s15 =	sor.u32 $0x300, s11  }
0x163: {  	(v2sf) =	vpush v0, $0xB;
	[hbm4b:s16+s3] =	stream.linear.scatter [tilespmem:s15], [sflag:$0x1], $0x80, $0x38;
	[tilespmem:$0x1200] =	vst v63  }
0x164: {  	s17 =	sor.u32 $0x400, s11;
	s18 =	sadd.s32 $0xA20, s12  }
0x165: {  	[hbm4b:s18+s3] =	stream.linear.scatter [tilespmem:s17], [sflag:$0x1], $0x80, $0x38;
	[tilespmem:$0x1200] =	vst v63  }
0x166: {  	s19 =	sor.u32 $0x500, s11;
	s20 =	sadd.s32 $0xAA0, s12  }
0x167: {  	[hbm4b:s20+s3] =	stream.linear.scatter [tilespmem:s19], [sflag:$0x1], $0x80, $0x38;
	[tilespmem:$0x1200] =	vst v63  }
0x168: {  	s21 =	sor.u32 $0x600, s11;
	s22 =	sadd.s32 $0xB20, s12  }
0x169: {  	[hbm4b:s22+s3] =	stream.linear.scatter [tilespmem:s21], [sflag:$0x1], $0x80, $0x38;
	[tilespmem:$0x1200] =	vst v63  }
0x16a: {  	s23 =	sor.u32 $0x700, s11;
	s24 =	sadd.s32 $0xBA0, s12  }
0x16b: {  	[hbm4b:s24+s3] =	stream.linear.scatter [tilespmem:s23], [sflag:$0x1], $0x80, $0x38;
	[tilespmem:$0x1200] =	vst v63  }
0x16c: {  	s25 =	sor.u32 $0x800, s11;
	s26 =	sadd.s32 $0xC20, s12  }
0x16d: {  	[hbm4b:s26+s3] =	stream.linear.scatter [tilespmem:s25], [sflag:$0x1], $0x80, $0x38;
	[tilespmem:$0x1200] =	vst v63  }
0x16e: {  	s28 =	sor.u32 $0x900, s11;
	s29 =	sadd.s32 $0xCA0, s12  }
0x16f: {  	[hbm4b:s29+s3] =	stream.linear.scatter [tilespmem:s28], [sflag:$0x1], $0x80, $0x38;
	[tilespmem:$0x1200] =	vst v63  }
0x170: {  	s30 =	sor.u32 $0xA00, s11;
	s31 =	sadd.s32 $0xD20, s12  }
0x171: {  	[hbm4b:s31+s3] =	stream.linear.scatter [tilespmem:s30], [sflag:$0x1], $0x80, $0x38;
	[tilespmem:$0x1200] =	vst v63  }
0x172: {  	s0 =	spop (v2sf);
	s17 =	sor.u32 $0xB00, s11;
	s18 =	sadd.s32 $0xDA0, s12  }
0x173: {  	[hbm4b:s18+s3] =	stream.linear.scatter [tilespmem:s17], [sflag:$0x1], $0x80, $0x38;
	[tilespmem:$0x1200] =	vst v63  }
0x174: {  	s13 =	sshll.u32 s0, $0x7;
	s20 =	sor.u32 $0xC00, s11;
	s21 =	sadd.s32 $0xE20, s12  }
0x175: {  	[hbm4b:s21+s3] =	stream.linear.scatter [tilespmem:s20], [sflag:$0x1], $0x80, $0x38;
	[tilespmem:$0x1200] =	vst v63  }
0x176: {  	s13 =	sand.u32 $0x80, s13;
	s22 =	sor.u32 $0xD00, s11;
	s23 =	sadd.s32 $0xEA0, s12  }
0x177: {  	[hbm4b:s23+s3] =	stream.linear.scatter [tilespmem:s22], [sflag:$0x1], $0x80, $0x38;
	[tilespmem:$0x1200] =	vst v63  }
0x178: {  	s19 =	sshll.u32 s0, $0xB;
	s24 =	sor.u32 $0xE00, s11;
	s25 =	sadd.s32 $0xF20, s12  }
0x179: {  	[hbm4b:s25+s3] =	stream.linear.scatter [tilespmem:s24], [sflag:$0x1], $0x80, $0x38;
	[tilespmem:$0x1200] =	vst v63  }
0x17a: {  	s14 =	sand.u32 $0xFFFFF000, s19;
	s11 =	sor.u32 $0xF00, s11;
	s26 =	sadd.s32 $0xFA0, s12  }
0x17b: {  	[hbm4b:s26+s3] =	stream.linear.scatter [tilespmem:s11], [sflag:$0x1], $0x80, $0x38;
	[tilespmem:$0x1200] =	vst v63  }
0x17c: {  	s28 =	sadd.s32 $0x830, s12;
	s11 =	sor.u32 s13, s14  }
0x17d: {  	[hbm4b:s28+s3] =	stream.linear.scatter [tilespmem:s11], [sflag:$0x1], $0x80, $0x38;
	[tilespmem:$0x1200] =	vst v63  }
0x17e: {  	s30 =	sadd.s32 $0x8B0, s12;
	s29 =	sor.u32 $0x100, s11  }
0x17f: {  	[hbm4b:s30+s3] =	stream.linear.scatter [tilespmem:s29], [sflag:$0x1], $0x80, $0x38;
	[tilespmem:$0x1200] =	vst v63  }
0x180: {  	s0 =	sadd.s32 $0x930, s12;
	s31 =	sor.u32 $0x200, s11  }
0x181: {  	[hbm4b:s0+s3] =	stream.linear.scatter [tilespmem:s31], [sflag:$0x1], $0x80, $0x38;
	[tilespmem:$0x1200] =	vst v63  }
0x182: {  	s16 =	sadd.s32 $0x9B0, s12;
	s15 =	sor.u32 $0x300, s11  }
0x183: {  	(v2sf) =	vpush v0, $0xC;
	[hbm4b:s16+s3] =	stream.linear.scatter [tilespmem:s15], [sflag:$0x1], $0x80, $0x38;
	[tilespmem:$0x1200] =	vst v63  }
0x184: {  	s18 =	sadd.s32 $0xA30, s12;
	s17 =	sor.u32 $0x400, s11  }
0x185: {  	[hbm4b:s18+s3] =	stream.linear.scatter [tilespmem:s17], [sflag:$0x1], $0x80, $0x38;
	[tilespmem:$0x1200] =	vst v63  }
0x186: {  	s20 =	sadd.s32 $0xAB0, s12;
	s19 =	sor.u32 $0x500, s11  }
0x187: {  	[hbm4b:s20+s3] =	stream.linear.scatter [tilespmem:s19], [sflag:$0x1], $0x80, $0x38;
	[tilespmem:$0x1200] =	vst v63  }
0x188: {  	s22 =	sadd.s32 $0xB30, s12;
	s21 =	sor.u32 $0x600, s11  }
0x189: {  	[hbm4b:s22+s3] =	stream.linear.scatter [tilespmem:s21], [sflag:$0x1], $0x80, $0x38;
	[tilespmem:$0x1200] =	vst v63  }
0x18a: {  	s24 =	sadd.s32 $0xBB0, s12;
	s23 =	sor.u32 $0x700, s11  }
0x18b: {  	[hbm4b:s24+s3] =	stream.linear.scatter [tilespmem:s23], [sflag:$0x1], $0x80, $0x38;
	[tilespmem:$0x1200] =	vst v63  }
0x18c: {  	s26 =	sadd.s32 $0xC30, s12;
	s25 =	sor.u32 $0x800, s11  }
0x18d: {  	[hbm4b:s26+s3] =	stream.linear.scatter [tilespmem:s25], [sflag:$0x1], $0x80, $0x38;
	[tilespmem:$0x1200] =	vst v63  }
0x18e: {  	s28 =	sor.u32 $0x900, s11;
	s29 =	sadd.s32 $0xCB0, s12  }
0x18f: {  	[hbm4b:s29+s3] =	stream.linear.scatter [tilespmem:s28], [sflag:$0x1], $0x80, $0x38;
	[tilespmem:$0x1200] =	vst v63  }
0x190: {  	s30 =	sor.u32 $0xA00, s11;
	s31 =	sadd.s32 $0xD30, s12  }
0x191: {  	[hbm4b:s31+s3] =	stream.linear.scatter [tilespmem:s30], [sflag:$0x1], $0x80, $0x38;
	[tilespmem:$0x1200] =	vst v63  }
0x192: {  	s0 =	spop (v2sf);
	s15 =	sor.u32 $0xB00, s11;
	s16 =	sadd.s32 $0xDB0, s12  }
0x193: {  	[hbm4b:s16+s3] =	stream.linear.scatter [tilespmem:s15], [sflag:$0x1], $0x80, $0x38;
	[tilespmem:$0x1200] =	vst v63  }
0x194: {  	s13 =	sshll.u32 s0, $0x7;
	s18 =	sor.u32 $0xC00, s11;
	s19 =	sadd.s32 $0xE30, s12  }
0x195: {  	[hbm4b:s19+s3] =	stream.linear.scatter [tilespmem:s18], [sflag:$0x1], $0x80, $0x38;
	[tilespmem:$0x1200] =	vst v63  }
0x196: {  	s13 =	sand.u32 $0x80, s13;
	s20 =	sor.u32 $0xD00, s11;
	s21 =	sadd.s32 $0xEB0, s12  }
0x197: {  	[hbm4b:s21+s3] =	stream.linear.scatter [tilespmem:s20], [sflag:$0x1], $0x80, $0x38;
	[tilespmem:$0x1200] =	vst v63  }
0x198: {  	s17 =	sshll.u32 s0, $0xB;
	s22 =	sor.u32 $0xE00, s11;
	s23 =	sadd.s32 $0xF30, s12  }
0x199: {  	[hbm4b:s23+s3] =	stream.linear.scatter [tilespmem:s22], [sflag:$0x1], $0x80, $0x38;
	[tilespmem:$0x1200] =	vst v63  }
0x19a: {  	s14 =	sand.u32 $0xFFFFF000, s17;
	s11 =	sor.u32 $0xF00, s11;
	s24 =	sadd.s32 $0xFB0, s12  }
0x19b: {  	[hbm4b:s24+s3] =	stream.linear.scatter [tilespmem:s11], [sflag:$0x1], $0x80, $0x38;
	[tilespmem:$0x1200] =	vst v63  }
0x19c: {  	s25 =	sadd.s32 $0x840, s12;
	s11 =	sor.u32 s13, s14  }
0x19d: {  	[hbm4b:s25+s3] =	stream.linear.scatter [tilespmem:s11], [sflag:$0x1], $0x80, $0x38;
	[tilespmem:$0x1200] =	vst v63  }
0x19e: {  	s28 =	sadd.s32 $0x8C0, s12;
	s26 =	sor.u32 $0x100, s11  }
0x19f: {  	[hbm4b:s28+s3] =	stream.linear.scatter [tilespmem:s26], [sflag:$0x1], $0x80, $0x38;
	[tilespmem:$0x1200] =	vst v63  }
0x1a0: {  	s30 =	sadd.s32 $0x940, s12;
	s29 =	sor.u32 $0x200, s11  }
0x1a1: {  	[hbm4b:s30+s3] =	stream.linear.scatter [tilespmem:s29], [sflag:$0x1], $0x80, $0x38;
	[tilespmem:$0x1200] =	vst v63  }
0x1a2: {  	s0 =	sadd.s32 $0x9C0, s12;
	s31 =	sor.u32 $0x300, s11  }
0x1a3: {  	(v2sf) =	vpush v0, $0xD;
	[hbm4b:s0+s3] =	stream.linear.scatter [tilespmem:s31], [sflag:$0x1], $0x80, $0x38;
	[tilespmem:$0x1200] =	vst v63  }
0x1a4: {  	s15 =	sadd.s32 $0xA40, s12;
	s14 =	sor.u32 $0x400, s11  }
0x1a5: {  	[hbm4b:s15+s3] =	stream.linear.scatter [tilespmem:s14], [sflag:$0x1], $0x80, $0x38;
	[tilespmem:$0x1200] =	vst v63  }
0x1a6: {  	s17 =	sadd.s32 $0xAC0, s12;
	s16 =	sor.u32 $0x500, s11  }
0x1a7: {  	[hbm4b:s17+s3] =	stream.linear.scatter [tilespmem:s16], [sflag:$0x1], $0x80, $0x38;
	[tilespmem:$0x1200] =	vst v63  }
0x1a8: {  	s19 =	sadd.s32 $0xB40, s12;
	s18 =	sor.u32 $0x600, s11  }
0x1a9: {  	[hbm4b:s19+s3] =	stream.linear.scatter [tilespmem:s18], [sflag:$0x1], $0x80, $0x38;
	[tilespmem:$0x1200] =	vst v63  }
0x1aa: {  	s21 =	sadd.s32 $0xBC0, s12;
	s20 =	sor.u32 $0x700, s11  }
0x1ab: {  	[hbm4b:s21+s3] =	stream.linear.scatter [tilespmem:s20], [sflag:$0x1], $0x80, $0x38;
	[tilespmem:$0x1200] =	vst v63  }
0x1ac: {  	s23 =	sadd.s32 $0xC40, s12;
	s22 =	sor.u32 $0x800, s11  }
0x1ad: {  	[hbm4b:s23+s3] =	stream.linear.scatter [tilespmem:s22], [sflag:$0x1], $0x80, $0x38;
	[tilespmem:$0x1200] =	vst v63  }
0x1ae: {  	s24 =	sor.u32 $0x900, s11;
	s25 =	sadd.s32 $0xCC0, s12  }
0x1af: {  	[hbm4b:s25+s3] =	stream.linear.scatter [tilespmem:s24], [sflag:$0x1], $0x80, $0x38;
	[tilespmem:$0x1200] =	vst v63  }
0x1b0: {  	s26 =	sor.u32 $0xA00, s11;
	s28 =	sadd.s32 $0xD40, s12  }
0x1b1: {  	[hbm4b:s28+s3] =	stream.linear.scatter [tilespmem:s26], [sflag:$0x1], $0x80, $0x38;
	[tilespmem:$0x1200] =	vst v63  }
0x1b2: {  	s29 =	spop (v2sf);
	s30 =	sor.u32 $0xB00, s11;
	s31 =	sadd.s32 $0xDC0, s12  }
0x1b3: {  	[hbm4b:s31+s3] =	stream.linear.scatter [tilespmem:s30], [sflag:$0x1], $0x80, $0x38;
	[tilespmem:$0x1200] =	vst v63  }
0x1b4: {  	s13 =	sshll.u32 s29, $0x7;
	s16 =	sor.u32 $0xC00, s11;
	s17 =	sadd.s32 $0xE40, s12  }
0x1b5: {  	[hbm4b:s17+s3] =	stream.linear.scatter [tilespmem:s16], [sflag:$0x1], $0x80, $0x38;
	[tilespmem:$0x1200] =	vst v63  }
0x1b6: {  	s0 =	sshll.u32 s29, $0xB;
	s18 =	sor.u32 $0xD00, s11;
	s19 =	sadd.s32 $0xEC0, s12  }
0x1b7: {  	[hbm4b:s19+s3] =	stream.linear.scatter [tilespmem:s18], [sflag:$0x1], $0x80, $0x38;
	[tilespmem:$0x1200] =	vst v63  }
0x1b8: {  	s13 =	sand.u32 $0x80, s13;
	s20 =	sor.u32 $0xE00, s11;
	s21 =	sadd.s32 $0xF40, s12  }
0x1b9: {  	[hbm4b:s21+s3] =	stream.linear.scatter [tilespmem:s20], [sflag:$0x1], $0x80, $0x38;
	[tilespmem:$0x1200] =	vst v63  }
0x1ba: {  	s14 =	sand.u32 $0xFFFFF000, s0;
	s11 =	sor.u32 $0xF00, s11;
	s22 =	sadd.s32 $0xFC0, s12  }
0x1bb: {  	[hbm4b:s22+s3] =	stream.linear.scatter [tilespmem:s11], [sflag:$0x1], $0x80, $0x38;
	[tilespmem:$0x1200] =	vst v63  }
0x1bc: {  	s13 =	sor.u32 s13, s14;
	s23 =	sadd.s32 $0x850, s12  }
0x1bd: {  	[hbm4b:s23+s3] =	stream.linear.scatter [tilespmem:s13], [sflag:$0x1], $0x80, $0x38;
	[tilespmem:$0x1200] =	vst v63  }
0x1be: {  	s24 =	sor.u32 $0x100, s13;
	s25 =	sadd.s32 $0x8D0, s12  }
0x1bf: {  	[hbm4b:s25+s3] =	stream.linear.scatter [tilespmem:s24], [sflag:$0x1], $0x80, $0x38;
	[tilespmem:$0x1200] =	vst v63  }
0x1c0: {  	s26 =	sor.u32 $0x200, s13;
	s28 =	sadd.s32 $0x950, s12  }
0x1c1: {  	[hbm4b:s28+s3] =	stream.linear.scatter [tilespmem:s26], [sflag:$0x1], $0x80, $0x38;
	[tilespmem:$0x1200] =	vst v63  }
0x1c2: {  	s29 =	sor.u32 $0x300, s13;
	s30 =	sadd.s32 $0x9D0, s12  }
0x1c3: {  	(v2sf) =	vpush v0, $0xE;
	[hbm4b:s30+s3] =	stream.linear.scatter [tilespmem:s29], [sflag:$0x1], $0x80, $0x38;
	[tilespmem:$0x1200] =	vst v63  }
0x1c4: {  	s0 =	sadd.s32 $0xA50, s12;
	s31 =	sor.u32 $0x400, s13  }
0x1c5: {  	[hbm4b:s0+s3] =	stream.linear.scatter [tilespmem:s31], [sflag:$0x1], $0x80, $0x38;
	[tilespmem:$0x1200] =	vst v63  }
0x1c6: {  	s15 =	sadd.s32 $0xAD0, s12;
	s14 =	sor.u32 $0x500, s13  }
0x1c7: {  	[hbm4b:s15+s3] =	stream.linear.scatter [tilespmem:s14], [sflag:$0x1], $0x80, $0x38;
	[tilespmem:$0x1200] =	vst v63  }
0x1c8: {  	s16 =	sor.u32 $0x600, s13;
	s17 =	sadd.s32 $0xB50, s12  }
0x1c9: {  	[hbm4b:s17+s3] =	stream.linear.scatter [tilespmem:s16], [sflag:$0x1], $0x80, $0x38;
	[tilespmem:$0x1200] =	vst v63  }
0x1ca: {  	s18 =	sor.u32 $0x700, s13;
	s19 =	sadd.s32 $0xBD0, s12  }
0x1cb: {  	[hbm4b:s19+s3] =	stream.linear.scatter [tilespmem:s18], [sflag:$0x1], $0x80, $0x38;
	[tilespmem:$0x1200] =	vst v63  }
0x1cc: {  	s20 =	sor.u32 $0x800, s13;
	s21 =	sadd.s32 $0xC50, s12  }
0x1cd: {  	[hbm4b:s21+s3] =	stream.linear.scatter [tilespmem:s20], [sflag:$0x1], $0x80, $0x38;
	[tilespmem:$0x1200] =	vst v63  }
0x1ce: {  	s22 =	sor.u32 $0x900, s13;
	s23 =	sadd.s32 $0xCD0, s12  }
0x1cf: {  	[hbm4b:s23+s3] =	stream.linear.scatter [tilespmem:s22], [sflag:$0x1], $0x80, $0x38;
	[tilespmem:$0x1200] =	vst v63  }
0x1d0: {  	s24 =	sor.u32 $0xA00, s13;
	s25 =	sadd.s32 $0xD50, s12  }
0x1d1: {  	[hbm4b:s25+s3] =	stream.linear.scatter [tilespmem:s24], [sflag:$0x1], $0x80, $0x38;
	[tilespmem:$0x1200] =	vst v63  }
0x1d2: {  	s26 =	spop (v2sf);
	s28 =	sor.u32 $0xB00, s13;
	s29 =	sadd.s32 $0xDD0, s12  }
0x1d3: {  	[hbm4b:s29+s3] =	stream.linear.scatter [tilespmem:s28], [sflag:$0x1], $0x80, $0x38;
	[tilespmem:$0x1200] =	vst v63  }
0x1d4: {  	s11 =	sshll.u32 s26, $0x7;
	s31 =	sor.u32 $0xC00, s13;
	s0 =	sadd.s32 $0xE50, s12  }
0x1d5: {  	[hbm4b:s0+s3] =	stream.linear.scatter [tilespmem:s31], [sflag:$0x1], $0x80, $0x38;
	[tilespmem:$0x1200] =	vst v63  }
0x1d6: {  	s30 =	sshll.u32 s26, $0xB;
	s16 =	sor.u32 $0xD00, s13;
	s17 =	sadd.s32 $0xED0, s12  }
0x1d7: {  	[hbm4b:s17+s3] =	stream.linear.scatter [tilespmem:s16], [sflag:$0x1], $0x80, $0x38;
	[tilespmem:$0x1200] =	vst v63  }
0x1d8: {  	s11 =	sand.u32 $0x80, s11;
	s18 =	sor.u32 $0xE00, s13;
	s19 =	sadd.s32 $0xF50, s12  }
0x1d9: {  	[hbm4b:s19+s3] =	stream.linear.scatter [tilespmem:s18], [sflag:$0x1], $0x80, $0x38;
	[tilespmem:$0x1200] =	vst v63  }
0x1da: {  	s14 =	sand.u32 $0xFFFFF000, s30;
	s13 =	sor.u32 $0xF00, s13;
	s20 =	sadd.s32 $0xFD0, s12  }
0x1db: {  	[hbm4b:s20+s3] =	stream.linear.scatter [tilespmem:s13], [sflag:$0x1], $0x80, $0x38;
	[tilespmem:$0x1200] =	vst v63  }
0x1dc: {  	s11 =	sor.u32 s11, s14;
	s21 =	sadd.s32 $0x860, s12  }
0x1dd: {  	[hbm4b:s21+s3] =	stream.linear.scatter [tilespmem:s11], [sflag:$0x1], $0x80, $0x38;
	[tilespmem:$0x1200] =	vst v63  }
0x1de: {  	s22 =	sor.u32 $0x100, s11;
	s23 =	sadd.s32 $0x8E0, s12  }
0x1df: {  	[hbm4b:s23+s3] =	stream.linear.scatter [tilespmem:s22], [sflag:$0x1], $0x80, $0x38;
	[tilespmem:$0x1200] =	vst v63  }
0x1e0: {  	s24 =	sor.u32 $0x200, s11;
	s25 =	sadd.s32 $0x960, s12  }
0x1e1: {  	[hbm4b:s25+s3] =	stream.linear.scatter [tilespmem:s24], [sflag:$0x1], $0x80, $0x38;
	[tilespmem:$0x1200] =	vst v63  }
0x1e2: {  	s26 =	sor.u32 $0x300, s11;
	s28 =	sadd.s32 $0x9E0, s12  }
0x1e3: {  	(v2sf) =	vpush v0, $0xF;
	[hbm4b:s28+s3] =	stream.linear.scatter [tilespmem:s26], [sflag:$0x1], $0x80, $0x38;
	[tilespmem:$0x1200] =	vst v63  }
0x1e4: {  	s30 =	sadd.s32 $0xA60, s12;
	s29 =	sor.u32 $0x400, s11  }
0x1e5: {  	[hbm4b:s30+s3] =	stream.linear.scatter [tilespmem:s29], [sflag:$0x1], $0x80, $0x38;
	[tilespmem:$0x1200] =	vst v63  }
0x1e6: {  	s31 =	sor.u32 $0x500, s11;
	s0 =	sadd.s32 $0xAE0, s12  }
0x1e7: {  	[hbm4b:s0+s3] =	stream.linear.scatter [tilespmem:s31], [sflag:$0x1], $0x80, $0x38;
	[tilespmem:$0x1200] =	vst v63  }
0x1e8: {  	s15 =	sadd.s32 $0xB60, s12;
	s14 =	sor.u32 $0x600, s11  }
0x1e9: {  	[hbm4b:s15+s3] =	stream.linear.scatter [tilespmem:s14], [sflag:$0x1], $0x80, $0x38;
	[tilespmem:$0x1200] =	vst v63  }
0x1ea: {  	s16 =	sor.u32 $0x700, s11;
	s17 =	sadd.s32 $0xBE0, s12  }
0x1eb: {  	[hbm4b:s17+s3] =	stream.linear.scatter [tilespmem:s16], [sflag:$0x1], $0x80, $0x38;
	[tilespmem:$0x1200] =	vst v63  }
0x1ec: {  	s18 =	sor.u32 $0x800, s11;
	s19 =	sadd.s32 $0xC60, s12  }
0x1ed: {  	[hbm4b:s19+s3] =	stream.linear.scatter [tilespmem:s18], [sflag:$0x1], $0x80, $0x38;
	[tilespmem:$0x1200] =	vst v63  }
0x1ee: {  	s20 =	sor.u32 $0x900, s11;
	s21 =	sadd.s32 $0xCE0, s12  }
0x1ef: {  	[hbm4b:s21+s3] =	stream.linear.scatter [tilespmem:s20], [sflag:$0x1], $0x80, $0x38;
	[tilespmem:$0x1200] =	vst v63  }
0x1f0: {  	s22 =	sor.u32 $0xA00, s11;
	s23 =	sadd.s32 $0xD60, s12  }
0x1f1: {  	[hbm4b:s23+s3] =	stream.linear.scatter [tilespmem:s22], [sflag:$0x1], $0x80, $0x38;
	[tilespmem:$0x1200] =	vst v63  }
0x1f2: {  	s24 =	spop (v2sf);
	s25 =	sor.u32 $0xB00, s11;
	s26 =	sadd.s32 $0xDE0, s12  }
0x1f3: {  	[hbm4b:s26+s3] =	stream.linear.scatter [tilespmem:s25], [sflag:$0x1], $0x80, $0x38;
	[tilespmem:$0x1200] =	vst v63  }
0x1f4: {  	s13 =	sshll.u32 s24, $0x7;
	s29 =	sor.u32 $0xC00, s11;
	s30 =	sadd.s32 $0xE60, s12  }
0x1f5: {  	[hbm4b:s30+s3] =	stream.linear.scatter [tilespmem:s29], [sflag:$0x1], $0x80, $0x38;
	[tilespmem:$0x1200] =	vst v63  }
0x1f6: {  	s28 =	sshll.u32 s24, $0xB;
	s31 =	sor.u32 $0xD00, s11;
	s0 =	sadd.s32 $0xEE0, s12  }
0x1f7: {  	[hbm4b:s0+s3] =	stream.linear.scatter [tilespmem:s31], [sflag:$0x1], $0x80, $0x38;
	[tilespmem:$0x1200] =	vst v63  }
0x1f8: {  	s13 =	sand.u32 $0x80, s13;
	s16 =	sor.u32 $0xE00, s11;
	s17 =	sadd.s32 $0xF60, s12  }
0x1f9: {  	[hbm4b:s17+s3] =	stream.linear.scatter [tilespmem:s16], [sflag:$0x1], $0x80, $0x38;
	[tilespmem:$0x1200] =	vst v63  }
0x1fa: {  	s14 =	sand.u32 $0xFFFFF000, s28;
	s11 =	sor.u32 $0xF00, s11;
	s18 =	sadd.s32 $0xFE0, s12  }
0x1fb: {  	[hbm4b:s18+s3] =	stream.linear.scatter [tilespmem:s11], [sflag:$0x1], $0x80, $0x38;
	[tilespmem:$0x1200] =	vst v63  }
0x1fc: {  	s13 =	sor.u32 s13, s14;
	s19 =	sadd.s32 $0x870, s12  }
0x1fd: {  	[hbm4b:s19+s3] =	stream.linear.scatter [tilespmem:s13], [sflag:$0x1], $0x80, $0x38;
	[tilespmem:$0x1200] =	vst v63  }
0x1fe: {  	s20 =	sor.u32 $0x100, s13;
	s21 =	sadd.s32 $0x8F0, s12  }
0x1ff: {  	[hbm4b:s21+s3] =	stream.linear.scatter [tilespmem:s20], [sflag:$0x1], $0x80, $0x38;
	[tilespmem:$0x1200] =	vst v63  }
0x200: {  	s22 =	sor.u32 $0x200, s13;
	s23 =	sadd.s32 $0x970, s12  }
0x201: {  	[hbm4b:s23+s3] =	stream.linear.scatter [tilespmem:s22], [sflag:$0x1], $0x80, $0x38;
	[tilespmem:$0x1200] =	vst v63  }
0x202: {  	s24 =	sor.u32 $0x300, s13;
	s25 =	sadd.s32 $0x9F0, s12  }
0x203: {  	[hbm4b:s25+s3] =	stream.linear.scatter [tilespmem:s24], [sflag:$0x1], $0x80, $0x38;
	[tilespmem:$0x1200] =	vst v63  }
0x204: {  	s28 =	sadd.s32 $0xA70, s12;
	s26 =	sor.u32 $0x400, s13  }
0x205: {  	[hbm4b:s28+s3] =	stream.linear.scatter [tilespmem:s26], [sflag:$0x1], $0x80, $0x38;
	[tilespmem:$0x1200] =	vst v63  }
0x206: {  	s29 =	sor.u32 $0x500, s13;
	s30 =	sadd.s32 $0xAF0, s12  }
0x207: {  	[hbm4b:s30+s3] =	stream.linear.scatter [tilespmem:s29], [sflag:$0x1], $0x80, $0x38;
	[tilespmem:$0x1200] =	vst v63  }
0x208: {  	s31 =	sor.u32 $0x600, s13;
	s0 =	sadd.s32 $0xB70, s12  }
0x209: {  	[hbm4b:s0+s3] =	stream.linear.scatter [tilespmem:s31], [sflag:$0x1], $0x80, $0x38;
	[tilespmem:$0x1200] =	vst v63  }
0x20a: {  	s15 =	sor.u32 $0x700, s13;
	s16 =	sadd.s32 $0xBF0, s12  }
0x20b: {  	[hbm4b:s16+s3] =	stream.linear.scatter [tilespmem:s15], [sflag:$0x1], $0x80, $0x38;
	[tilespmem:$0x1200] =	vst v63  }
0x20c: {  	s17 =	sor.u32 $0x800, s13;
	s18 =	sadd.s32 $0xC70, s12  }
0x20d: {  	[hbm4b:s18+s3] =	stream.linear.scatter [tilespmem:s17], [sflag:$0x1], $0x80, $0x38;
	[tilespmem:$0x1200] =	vst v63  }
0x20e: {  	s19 =	sor.u32 $0x900, s13;
	s20 =	sadd.s32 $0xCF0, s12  }
0x20f: {  	[hbm4b:s20+s3] =	stream.linear.scatter [tilespmem:s19], [sflag:$0x1], $0x80, $0x38;
	[tilespmem:$0x1200] =	vst v63  }
0x210: {  	s21 =	sor.u32 $0xA00, s13;
	s22 =	sadd.s32 $0xD70, s12  }
0x211: {  	[hbm4b:s22+s3] =	stream.linear.scatter [tilespmem:s21], [sflag:$0x1], $0x80, $0x38;
	[tilespmem:$0x1200] =	vst v63  }
0x212: {  	s14 =	sor.u32 $0xF00, s13;
	s23 =	sor.u32 $0xB00, s13;
	s24 =	sadd.s32 $0xDF0, s12  }
0x213: {  	[hbm4b:s24+s3] =	stream.linear.scatter [tilespmem:s23], [sflag:$0x1], $0x80, $0x38;
	[tilespmem:$0x1200] =	vst v63  }
0x214: {  	s11 =	simm.s32 $0x1000;
	s25 =	sor.u32 $0xC00, s13;
	s26 =	sadd.s32 $0xE70, s12  }
0x215: {  	[hbm4b:s26+s3] =	stream.linear.scatter [tilespmem:s25], [sflag:$0x1], $0x80, $0x38;
	[tilespmem:$0x1200] =	vst v63  }
0x216: {  	s28 =	sor.u32 $0xD00, s13;
	s29 =	sadd.s32 $0xEF0, s12;
	s30 =	sor.u32 $0xE00, s13  }
0x217: {  	[hbm4b:s29+s3] =	stream.linear.scatter [tilespmem:s28], [sflag:$0x1], $0x80, $0x38;
	[tilespmem:$0x1200] =	vst v63  }
0x218: {  	s13 =	sadd.s32 $0xFF0, s12;
	s31 =	sadd.s32 $0xF70, s12;
	s12 =	simm.s32 $0x1010  }
0x219: {  	[hbm4b:s31+s3] =	stream.linear.scatter [tilespmem:s30], [sflag:$0x1], $0x80, $0x38;
	[tilespmem:$0x1200] =	vst v63  }
.LBB2_2:
0x21a: {  	[hbm4b:s13+s3] =	stream.linear.scatter [tilespmem:s14], [sflag:$0x1], $0x80, $0x38;
	[tilespmem:$0x1200] =	vst v63  }
0x21b: {  	v0 =	vld [tilespmem:s12+$0x0];
	_ =	sdelay $0x4  }
0x21c: {  	(v2sf) =	vpush v0, $0x0;
	_ =	sdelay $0x4  }
0x21d: {  	(v2sf) =	vpush v0, $0x1;
	_ =	sdelay $0x9  }
0x21e: {  	s24 =	smov.u32 s11;
	(v2sf) =	vpush v0, $0x2;
	s15 =	spop (v2sf)  }
0x21f: {  	s25 =	rddreg [dreg:$0x4];
	s16 =	sshll.u32 s15, $0xB;
	s15 =	sshll.u32 s15, $0x7  }
0x220: {  	s13 =	sadd.s32 s24, s25;
	s16 =	sand.u32 $0xFFFFF000, s16;
	s15 =	sand.u32 $0x80, s15  }
0x221: {  	s28 =	sadd.s32 $0x80, s13;
	s30 =	sadd.s32 $0x100, s13;
	s14 =	sor.u32 s15, s16  }
0x222: {  	[hbm4b:s13+s3] =	stream.linear.scatter [tilespmem:s14], [sflag:$0x1], $0x80, $0x38;
	[tilespmem:$0x1200] =	vst v63  }
0x223: {  	s0 =	sadd.s32 $0x180, s13;
	s17 =	spop (v2sf);
	s16 =	sor.u32 $0x100, s14  }
0x224: {  	[hbm4b:s28+s3] =	stream.linear.scatter [tilespmem:s16], [sflag:$0x1], $0x80, $0x38;
	[tilespmem:$0x1200] =	vst v63  }
0x225: {  	s18 =	sshll.u32 s17, $0xB;
	s26 =	sshll.u32 s17, $0x7;
	s29 =	sor.u32 $0x200, s14  }
0x226: {  	[hbm4b:s30+s3] =	stream.linear.scatter [tilespmem:s29], [sflag:$0x1], $0x80, $0x38;
	[tilespmem:$0x1200] =	vst v63  }
0x227: {  	s18 =	sand.u32 $0xFFFFF000, s18;
	s15 =	sand.u32 $0x80, s26;
	s31 =	sor.u32 $0x300, s14  }
0x228: {  	(v2sf) =	vpush v0, $0x3;
	[hbm4b:s0+s3] =	stream.linear.scatter [tilespmem:s31], [sflag:$0x1], $0x80, $0x38;
	[tilespmem:$0x1200] =	vst v63  }
0x229: {  	s20 =	sadd.s32 $0x200, s13;
	s19 =	sor.u32 s15, s18;
	s18 =	sor.u32 $0x400, s14  }
0x22a: {  	[hbm4b:s20+s3] =	stream.linear.scatter [tilespmem:s18], [sflag:$0x1], $0x80, $0x38;
	[tilespmem:$0x1200] =	vst v63  }
0x22b: {  	s23 =	sadd.s32 $0x280, s13;
	s22 =	sor.u32 $0x500, s14  }
0x22c: {  	[hbm4b:s23+s3] =	stream.linear.scatter [tilespmem:s22], [sflag:$0x1], $0x80, $0x38;
	[tilespmem:$0x1200] =	vst v63  }
0x22d: {  	s21 =	spop (v2sf);
	s26 =	sadd.s32 $0x300, s13;
	s25 =	sor.u32 $0x600, s14  }
0x22e: {  	[hbm4b:s26+s3] =	stream.linear.scatter [tilespmem:s25], [sflag:$0x1], $0x80, $0x38;
	[tilespmem:$0x1200] =	vst v63  }
0x22f: {  	s24 =	sshll.u32 s21, $0xB;
	s28 =	sor.u32 $0x700, s14;
	s29 =	sadd.s32 $0x380, s13  }
0x230: {  	[hbm4b:s29+s3] =	stream.linear.scatter [tilespmem:s28], [sflag:$0x1], $0x80, $0x38;
	[tilespmem:$0x1200] =	vst v63  }
0x231: {  	s17 =	sshll.u32 s21, $0x7;
	s30 =	sor.u32 $0x800, s14;
	s31 =	sadd.s32 $0x400, s13  }
0x232: {  	[hbm4b:s31+s3] =	stream.linear.scatter [tilespmem:s30], [sflag:$0x1], $0x80, $0x38;
	[tilespmem:$0x1200] =	vst v63  }
0x233: {  	s17 =	sand.u32 $0x80, s17;
	s0 =	sor.u32 $0x900, s14;
	s20 =	sadd.s32 $0x480, s13  }
0x234: {  	[hbm4b:s20+s3] =	stream.linear.scatter [tilespmem:s0], [sflag:$0x1], $0x80, $0x38;
	[tilespmem:$0x1200] =	vst v63  }
0x235: {  	s21 =	sor.u32 $0xA00, s14;
	s18 =	sand.u32 $0xFFFFF000, s24;
	s22 =	sadd.s32 $0x500, s13  }
0x236: {  	(v2sf) =	vpush v0, $0x4;
	[hbm4b:s22+s3] =	stream.linear.scatter [tilespmem:s21], [sflag:$0x1], $0x80, $0x38;
	[tilespmem:$0x1200] =	vst v63  }
0x237: {  	s24 =	sor.u32 $0xB00, s14;
	s23 =	spop (v2sf);
	s25 =	sadd.s32 $0x580, s13  }
0x238: {  	(v2sf) =	vpush v0, $0x5;
	[hbm4b:s25+s3] =	stream.linear.scatter [tilespmem:s24], [sflag:$0x1], $0x80, $0x38;
	[tilespmem:$0x1200] =	vst v63  }
0x239: {  	s16 =	sor.u32 s17, s18;
	s28 =	sor.u32 $0xC00, s14;
	s29 =	sadd.s32 $0x600, s13  }
0x23a: {  	[hbm4b:s29+s3] =	stream.linear.scatter [tilespmem:s28], [sflag:$0x1], $0x80, $0x38;
	[tilespmem:$0x1200] =	vst v63  }
0x23b: {  	s26 =	sshll.u32 s23, $0xB;
	s30 =	sor.u32 $0xD00, s14;
	s21 =	sadd.s32 $0x680, s13  }
0x23c: {  	[hbm4b:s21+s3] =	stream.linear.scatter [tilespmem:s30], [sflag:$0x1], $0x80, $0x38;
	[tilespmem:$0x1200] =	vst v63  }
0x23d: {  	s18 =	sshll.u32 s23, $0x7;
	s31 =	sor.u32 $0xE00, s14;
	s0 =	sadd.s32 $0x700, s13  }
0x23e: {  	[hbm4b:s0+s3] =	stream.linear.scatter [tilespmem:s31], [sflag:$0x1], $0x80, $0x38;
	[tilespmem:$0x1200] =	vst v63  }
0x23f: {  	s17 =	sand.u32 $0xFFFFF000, s26;
	s14 =	sor.u32 $0xF00, s14;
	s20 =	sadd.s32 $0x780, s13  }
0x240: {  	[hbm4b:s20+s3] =	stream.linear.scatter [tilespmem:s14], [sflag:$0x1], $0x80, $0x38;
	[tilespmem:$0x1200] =	vst v63  }
0x241: {  	s18 =	sand.u32 $0x80, s18;
	s26 =	sadd.s32 $0x110, s13;
	s22 =	sadd.s32 $0x10, s13  }
0x242: {  	[hbm4b:s22+s3] =	stream.linear.scatter [tilespmem:s19], [sflag:$0x1], $0x80, $0x38;
	[tilespmem:$0x1200] =	vst v63  }
0x243: {  	s24 =	sor.u32 $0x100, s19;
	s25 =	sor.u32 $0x200, s19;
	s22 =	sadd.s32 $0x90, s13  }
0x244: {  	[hbm4b:s22+s3] =	stream.linear.scatter [tilespmem:s24], [sflag:$0x1], $0x80, $0x38;
	[tilespmem:$0x1200] =	vst v63  }
0x245: {  	s28 =	sor.u32 $0x300, s19;
	s29 =	sadd.s32 $0x190, s13;
	s21 =	spop (v2sf)  }
0x246: {  	[hbm4b:s26+s3] =	stream.linear.scatter [tilespmem:s25], [sflag:$0x1], $0x80, $0x38;
	[tilespmem:$0x1200] =	vst v63  }
0x247: {  	s23 =	sshll.u32 s21, $0xB;
	s30 =	spop (v2sf);
	s31 =	sor.u32 $0x400, s19  }
0x248: {  	(v2sf) =	vpush v0, $0x6;
	[hbm4b:s29+s3] =	stream.linear.scatter [tilespmem:s28], [sflag:$0x1], $0x80, $0x38;
	[tilespmem:$0x1200] =	vst v63  }
0x249: {  	s0 =	sadd.s32 $0x210, s13;
	s20 =	sshll.u32 s21, $0x7;
	s14 =	sand.u32 $0xFFFFF000, s23  }
0x24a: {  	[hbm4b:s0+s3] =	stream.linear.scatter [tilespmem:s31], [sflag:$0x1], $0x80, $0x38;
	[tilespmem:$0x1200] =	vst v63  }
0x24b: {  	s23 =	sshll.u32 s30, $0xB;
	s24 =	sor.u32 $0x500, s19;
	s25 =	sadd.s32 $0x290, s13  }
0x24c: {  	[hbm4b:s25+s3] =	stream.linear.scatter [tilespmem:s24], [sflag:$0x1], $0x80, $0x38;
	[tilespmem:$0x1200] =	vst v63  }
0x24d: {  	s23 =	sand.u32 $0xFFFFF000, s23;
	s26 =	sor.u32 $0x600, s19;
	s28 =	sadd.s32 $0x310, s13  }
0x24e: {  	[hbm4b:s28+s3] =	stream.linear.scatter [tilespmem:s26], [sflag:$0x1], $0x80, $0x38;
	[tilespmem:$0x1200] =	vst v63  }
0x24f: {  	s22 =	sshll.u32 s30, $0x7;
	s30 =	sadd.s32 $0x390, s13;
	s29 =	sor.u32 $0x700, s19  }
0x250: {  	(v2sf) =	vpush v0, $0x7;
	[hbm4b:s30+s3] =	stream.linear.scatter [tilespmem:s29], [sflag:$0x1], $0x80, $0x38;
	[tilespmem:$0x1200] =	vst v63  }
0x251: {  	s22 =	sand.u32 $0x80, s22;
	s31 =	sor.u32 $0x800, s19;
	s0 =	sadd.s32 $0x410, s13  }
0x252: {  	[hbm4b:s0+s3] =	stream.linear.scatter [tilespmem:s31], [sflag:$0x1], $0x80, $0x38;
	[tilespmem:$0x1200] =	vst v63  }
0x253: {  	s21 =	sor.u32 $0x900, s19;
	s26 =	sor.u32 s22, s23;
	s22 =	sadd.s32 $0x490, s13  }
0x254: {  	[hbm4b:s22+s3] =	stream.linear.scatter [tilespmem:s21], [sflag:$0x1], $0x80, $0x38;
	[tilespmem:$0x1200] =	vst v63  }
0x255: {  	s15 =	sand.u32 $0x80, s20;
	s24 =	sor.u32 $0xA00, s19;
	s25 =	sadd.s32 $0x510, s13  }
0x256: {  	[hbm4b:s25+s3] =	stream.linear.scatter [tilespmem:s24], [sflag:$0x1], $0x80, $0x38;
	[tilespmem:$0x1200] =	vst v63  }
0x257: {  	s23 =	spop (v2sf);
	s29 =	sor.u32 $0xB00, s19;
	s30 =	sadd.s32 $0x590, s13  }
0x258: {  	[hbm4b:s30+s3] =	stream.linear.scatter [tilespmem:s29], [sflag:$0x1], $0x80, $0x38;
	[tilespmem:$0x1200] =	vst v63  }
0x259: {  	s28 =	sshll.u32 s23, $0xB;
	s31 =	sor.u32 $0xC00, s19;
	s0 =	sadd.s32 $0x610, s13  }
0x25a: {  	(v2sf) =	vpush v0, $0x8;
	[hbm4b:s0+s3] =	stream.linear.scatter [tilespmem:s31], [sflag:$0x1], $0x80, $0x38;
	[tilespmem:$0x1200] =	vst v63  }
0x25b: {  	s22 =	sshll.u32 s23, $0x7;
	s21 =	sor.u32 $0xD00, s19;
	s23 =	sadd.s32 $0x690, s13  }
0x25c: {  	[hbm4b:s23+s3] =	stream.linear.scatter [tilespmem:s21], [sflag:$0x1], $0x80, $0x38;
	[tilespmem:$0x1200] =	vst v63  }
0x25d: {  	s20 =	sadd.s32 $0x20, s13;
	s24 =	sor.u32 $0xE00, s19;
	s25 =	sadd.s32 $0x710, s13  }
0x25e: {  	[hbm4b:s25+s3] =	stream.linear.scatter [tilespmem:s24], [sflag:$0x1], $0x80, $0x38;
	[tilespmem:$0x1200] =	vst v63  }
0x25f: {  	s19 =	sor.u32 $0xF00, s19;
	s30 =	spop (v2sf);
	s31 =	sadd.s32 $0x790, s13  }
0x260: {  	[hbm4b:s31+s3] =	stream.linear.scatter [tilespmem:s19], [sflag:$0x1], $0x80, $0x38;
	[tilespmem:$0x1200] =	vst v63  }
0x261: {  	s29 =	sand.u32 $0x80, s22;
	s22 =	sadd.s32 $0x1A0, s13;
	s0 =	sshll.u32 s30, $0xB  }
0x262: {  	[hbm4b:s20+s3] =	stream.linear.scatter [tilespmem:s16], [sflag:$0x1], $0x80, $0x38;
	[tilespmem:$0x1200] =	vst v63  }
0x263: {  	s24 =	sshll.u32 s30, $0x7;
	s25 =	sor.u32 $0x100, s16;
	s30 =	sadd.s32 $0xA0, s13  }
0x264: {  	[hbm4b:s30+s3] =	stream.linear.scatter [tilespmem:s25], [sflag:$0x1], $0x80, $0x38;
	[tilespmem:$0x1200] =	vst v63  }
0x265: {  	s23 =	sand.u32 $0xFFFFF000, s0;
	s0 =	sadd.s32 $0x120, s13;
	s31 =	sor.u32 $0x200, s16  }
0x266: {  	(v2sf) =	vpush v0, $0x9;
	[hbm4b:s0+s3] =	stream.linear.scatter [tilespmem:s31], [sflag:$0x1], $0x80, $0x38;
	[tilespmem:$0x1200] =	vst v63  }
0x267: {  	s21 =	sand.u32 $0x80, s24;
	s24 =	sadd.s32 $0x220, s13;
	s20 =	sor.u32 $0x300, s16  }
0x268: {  	[hbm4b:s22+s3] =	stream.linear.scatter [tilespmem:s20], [sflag:$0x1], $0x80, $0x38;
	[tilespmem:$0x1200] =	vst v63  }
0x269: {  	s25 =	sor.u32 s21, s23;
	s21 =	spop (v2sf);
	s23 =	sor.u32 $0x400, s16  }
0x26a: {  	[hbm4b:s24+s3] =	stream.linear.scatter [tilespmem:s23], [sflag:$0x1], $0x80, $0x38;
	[tilespmem:$0x1200] =	vst v63  }
0x26b: {  	s30 =	sshll.u32 s21, $0xB;
	s31 =	sor.u32 $0x500, s16;
	s0 =	sadd.s32 $0x2A0, s13  }
0x26c: {  	[hbm4b:s0+s3] =	stream.linear.scatter [tilespmem:s31], [sflag:$0x1], $0x80, $0x38;
	[tilespmem:$0x1200] =	vst v63  }
0x26d: {  	s21 =	sshll.u32 s21, $0x7;
	s20 =	sor.u32 $0x600, s16;
	s23 =	sadd.s32 $0x320, s13  }
0x26e: {  	(v2sf) =	vpush v0, $0xA;
	[hbm4b:s23+s3] =	stream.linear.scatter [tilespmem:s20], [sflag:$0x1], $0x80, $0x38;
	[tilespmem:$0x1200] =	vst v63  }
0x26f: {  	s22 =	sand.u32 $0xFFFFF000, s30;
	s30 =	sadd.s32 $0x3A0, s13;
	s24 =	sor.u32 $0x700, s16  }
0x270: {  	[hbm4b:s30+s3] =	stream.linear.scatter [tilespmem:s24], [sflag:$0x1], $0x80, $0x38;
	[tilespmem:$0x1200] =	vst v63  }
0x271: {  	s21 =	sand.u32 $0x80, s21;
	s31 =	sor.u32 $0x800, s16;
	s0 =	sadd.s32 $0x420, s13  }
0x272: {  	[hbm4b:s0+s3] =	stream.linear.scatter [tilespmem:s31], [sflag:$0x1], $0x80, $0x38;
	[tilespmem:$0x1200] =	vst v63  }
0x273: {  	s22 =	sor.u32 s21, s22;
	s23 =	sor.u32 $0x900, s16;
	s24 =	sadd.s32 $0x4A0, s13  }
0x274: {  	[hbm4b:s24+s3] =	stream.linear.scatter [tilespmem:s23], [sflag:$0x1], $0x80, $0x38;
	[tilespmem:$0x1200] =	vst v63  }
0x275: {  	s21 =	spop (v2sf);
	s30 =	sor.u32 $0xA00, s16;
	s31 =	sadd.s32 $0x520, s13  }
0x276: {  	[hbm4b:s31+s3] =	stream.linear.scatter [tilespmem:s30], [sflag:$0x1], $0x80, $0x38;
	[tilespmem:$0x1200] =	vst v63  }
0x277: {  	s0 =	sshll.u32 s21, $0xB;
	s24 =	sor.u32 $0xB00, s16;
	s30 =	sadd.s32 $0x5A0, s13  }
0x278: {  	[hbm4b:s30+s3] =	stream.linear.scatter [tilespmem:s24], [sflag:$0x1], $0x80, $0x38;
	[tilespmem:$0x1200] =	vst v63  }
0x279: {  	s23 =	sand.u32 $0xFFFFF000, s0;
	s0 =	sadd.s32 $0x620, s13;
	s31 =	sor.u32 $0xC00, s16  }
0x27a: {  	[hbm4b:s0+s3] =	stream.linear.scatter [tilespmem:s31], [sflag:$0x1], $0x80, $0x38;
	[tilespmem:$0x1200] =	vst v63  }
0x27b: {  	s20 =	sor.u32 $0xD00, s16;
	s24 =	sshll.u32 s21, $0x7;
	s30 =	sadd.s32 $0x6A0, s13  }
0x27c: {  	(v2sf) =	vpush v0, $0xB;
	[hbm4b:s30+s3] =	stream.linear.scatter [tilespmem:s20], [sflag:$0x1], $0x80, $0x38;
	[tilespmem:$0x1200] =	vst v63  }
0x27d: {  	s21 =	spop (v2sf);
	s31 =	sor.u32 $0xE00, s16;
	s0 =	sadd.s32 $0x720, s13  }
0x27e: {  	[hbm4b:s0+s3] =	stream.linear.scatter [tilespmem:s31], [sflag:$0x1], $0x80, $0x38;
	[tilespmem:$0x1200] =	vst v63  }
0x27f: {  	s16 =	sor.u32 $0xF00, s16;
	s30 =	sshll.u32 s21, $0xB;
	s20 =	sadd.s32 $0x7A0, s13  }
0x280: {  	[hbm4b:s20+s3] =	stream.linear.scatter [tilespmem:s16], [sflag:$0x1], $0x80, $0x38;
	[tilespmem:$0x1200] =	vst v63  }
0x281: {  	s31 =	sshll.u32 s21, $0x7;
	s0 =	sadd.s32 $0x30, s13;
	s16 =	sor.u32 s18, s17  }
0x282: {  	[hbm4b:s0+s3] =	stream.linear.scatter [tilespmem:s16], [sflag:$0x1], $0x80, $0x38;
	[tilespmem:$0x1200] =	vst v63  }
0x283: {  	s21 =	sand.u32 $0xFFFFF000, s30;
	s30 =	sadd.s32 $0xB0, s13;
	s18 =	sor.u32 $0x100, s16  }
0x284: {  	[hbm4b:s30+s3] =	stream.linear.scatter [tilespmem:s18], [sflag:$0x1], $0x80, $0x38;
	[tilespmem:$0x1200] =	vst v63  }
0x285: {  	s20 =	sand.u32 $0x80, s31;
	s31 =	sor.u32 $0x200, s16;
	s0 =	sadd.s32 $0x130, s13  }
0x286: {  	[hbm4b:s0+s3] =	stream.linear.scatter [tilespmem:s31], [sflag:$0x1], $0x80, $0x38;
	[tilespmem:$0x1200] =	vst v63  }
0x287: {  	s21 =	sor.u32 s20, s21;
	s20 =	sor.u32 $0x300, s16;
	s30 =	sadd.s32 $0x1B0, s13  }
0x288: {  	(v2sf) =	vpush v0, $0xC;
	[hbm4b:s30+s3] =	stream.linear.scatter [tilespmem:s20], [sflag:$0x1], $0x80, $0x38;
	[tilespmem:$0x1200] =	vst v63  }
0x289: {  	s31 =	sor.u32 $0x400, s16;
	s0 =	sadd.s32 $0x230, s13  }
0x28a: {  	[hbm4b:s0+s3] =	stream.linear.scatter [tilespmem:s31], [sflag:$0x1], $0x80, $0x38;
	[tilespmem:$0x1200] =	vst v63  }
0x28b: {  	s19 =	spop (v2sf);
	s18 =	sor.u32 $0x500, s16;
	s30 =	sadd.s32 $0x2B0, s13  }
0x28c: {  	[hbm4b:s30+s3] =	stream.linear.scatter [tilespmem:s18], [sflag:$0x1], $0x80, $0x38;
	[tilespmem:$0x1200] =	vst v63  }
0x28d: {  	s20 =	sshll.u32 s19, $0xB;
	s31 =	sor.u32 $0x600, s16;
	s0 =	sadd.s32 $0x330, s13  }
0x28e: {  	[hbm4b:s0+s3] =	stream.linear.scatter [tilespmem:s31], [sflag:$0x1], $0x80, $0x38;
	[tilespmem:$0x1200] =	vst v63  }
0x28f: {  	s19 =	sshll.u32 s19, $0x7;
	s18 =	sor.u32 $0x700, s16;
	s30 =	sadd.s32 $0x3B0, s13  }
0x290: {  	[hbm4b:s30+s3] =	stream.linear.scatter [tilespmem:s18], [sflag:$0x1], $0x80, $0x38;
	[tilespmem:$0x1200] =	vst v63  }
0x291: {  	s20 =	sand.u32 $0xFFFFF000, s20;
	s31 =	sor.u32 $0x800, s16;
	s0 =	sadd.s32 $0x430, s13  }
0x292: {  	[hbm4b:s0+s3] =	stream.linear.scatter [tilespmem:s31], [sflag:$0x1], $0x80, $0x38;
	[tilespmem:$0x1200] =	vst v63  }
0x293: {  	s19 =	sand.u32 $0x80, s19;
	s18 =	sor.u32 $0x900, s16;
	s30 =	sadd.s32 $0x4B0, s13  }
0x294: {  	(v2sf) =	vpush v0, $0xD;
	[hbm4b:s30+s3] =	stream.linear.scatter [tilespmem:s18], [sflag:$0x1], $0x80, $0x38;
	[tilespmem:$0x1200] =	vst v63  }
0x295: {  	s20 =	sor.u32 s19, s20;
	s31 =	sor.u32 $0xA00, s16;
	s0 =	sadd.s32 $0x530, s13  }
0x296: {  	[hbm4b:s0+s3] =	stream.linear.scatter [tilespmem:s31], [sflag:$0x1], $0x80, $0x38;
	[tilespmem:$0x1200] =	vst v63  }
0x297: {  	s19 =	spop (v2sf);
	s31 =	sor.u32 $0xB00, s16;
	s0 =	sadd.s32 $0x5B0, s13  }
0x298: {  	[hbm4b:s0+s3] =	stream.linear.scatter [tilespmem:s31], [sflag:$0x1], $0x80, $0x38;
	[tilespmem:$0x1200] =	vst v63  }
0x299: {  	s30 =	sshll.u32 s19, $0xB;
	s31 =	sor.u32 $0xC00, s16;
	s0 =	sadd.s32 $0x630, s13  }
0x29a: {  	(v2sf) =	vpush v0, $0xE;
	[hbm4b:s0+s3] =	stream.linear.scatter [tilespmem:s31], [sflag:$0x1], $0x80, $0x38;
	[tilespmem:$0x1200] =	vst v63  }
0x29b: {  	s19 =	sshll.u32 s19, $0x7;
	s18 =	sor.u32 $0xD00, s16;
	s31 =	sadd.s32 $0x6B0, s13  }
0x29c: {  	[hbm4b:s31+s3] =	stream.linear.scatter [tilespmem:s18], [sflag:$0x1], $0x80, $0x38;
	[tilespmem:$0x1200] =	vst v63  }
0x29d: {  	s30 =	sand.u32 $0xFFFFF000, s30;
	s0 =	sor.u32 $0xE00, s16;
	s31 =	sadd.s32 $0x730, s13  }
0x29e: {  	[hbm4b:s31+s3] =	stream.linear.scatter [tilespmem:s0], [sflag:$0x1], $0x80, $0x38;
	[tilespmem:$0x1200] =	vst v63  }
0x29f: {  	s19 =	sand.u32 $0x80, s19;
	s16 =	sor.u32 $0xF00, s16;
	s0 =	sadd.s32 $0x7B0, s13  }
0x2a0: {  	[hbm4b:s0+s3] =	stream.linear.scatter [tilespmem:s16], [sflag:$0x1], $0x80, $0x38;
	[tilespmem:$0x1200] =	vst v63  }
0x2a1: {  	s17 =	sor.u32 s19, s30;
	s30 =	sor.u32 s15, s14;
	s18 =	sadd.s32 $0x40, s13  }
0x2a2: {  	[hbm4b:s18+s3] =	stream.linear.scatter [tilespmem:s30], [sflag:$0x1], $0x80, $0x38;
	[tilespmem:$0x1200] =	vst v63  }
0x2a3: {  	s19 =	spop (v2sf);
	s15 =	sor.u32 $0x100, s30;
	s0 =	sadd.s32 $0xC0, s13  }
0x2a4: {  	[hbm4b:s0+s3] =	stream.linear.scatter [tilespmem:s15], [sflag:$0x1], $0x80, $0x38;
	[tilespmem:$0x1200] =	vst v63  }
0x2a5: {  	s31 =	sshll.u32 s19, $0xB;
	s16 =	sadd.s32 $0x140, s13;
	s15 =	sor.u32 $0x200, s30  }
0x2a6: {  	[hbm4b:s16+s3] =	stream.linear.scatter [tilespmem:s15], [sflag:$0x1], $0x80, $0x38;
	[tilespmem:$0x1200] =	vst v63  }
0x2a7: {  	s18 =	sand.u32 $0xFFFFF000, s31;
	s31 =	sor.u32 $0x300, s30;
	s0 =	sadd.s32 $0x1C0, s13  }
0x2a8: {  	[hbm4b:s0+s3] =	stream.linear.scatter [tilespmem:s31], [sflag:$0x1], $0x80, $0x38;
	[tilespmem:$0x1200] =	vst v63  }
0x2a9: {  	s16 =	spop (v2sf);
	s15 =	sor.u32 $0x400, s30;
	s0 =	sadd.s32 $0x240, s13  }
0x2aa: {  	[hbm4b:s0+s3] =	stream.linear.scatter [tilespmem:s15], [sflag:$0x1], $0x80, $0x38;
	[tilespmem:$0x1200] =	vst v63  }
0x2ab: {  	s31 =	sshll.u32 s16, $0xB;
	s15 =	sor.u32 $0x500, s30;
	s0 =	sadd.s32 $0x2C0, s13  }
0x2ac: {  	[hbm4b:s0+s3] =	stream.linear.scatter [tilespmem:s15], [sflag:$0x1], $0x80, $0x38;
	[tilespmem:$0x1200] =	vst v63  }
0x2ad: {  	s16 =	sshll.u32 s16, $0x7;
	s15 =	sor.u32 $0x600, s30;
	s0 =	sadd.s32 $0x340, s13  }
0x2ae: {  	[hbm4b:s0+s3] =	stream.linear.scatter [tilespmem:s15], [sflag:$0x1], $0x80, $0x38;
	[tilespmem:$0x1200] =	vst v63  }
0x2af: {  	s31 =	sand.u32 $0xFFFFF000, s31;
	s15 =	sor.u32 $0x700, s30;
	s0 =	sadd.s32 $0x3C0, s13  }
0x2b0: {  	[hbm4b:s0+s3] =	stream.linear.scatter [tilespmem:s15], [sflag:$0x1], $0x80, $0x38;
	[tilespmem:$0x1200] =	vst v63  }
0x2b1: {  	s16 =	sand.u32 $0x80, s16;
	s15 =	sor.u32 $0x800, s30;
	s0 =	sadd.s32 $0x440, s13  }
0x2b2: {  	[hbm4b:s0+s3] =	stream.linear.scatter [tilespmem:s15], [sflag:$0x1], $0x80, $0x38;
	[tilespmem:$0x1200] =	vst v63  }
0x2b3: {  	s14 =	sor.u32 s16, s31;
	s31 =	sadd.s32 $0x4C0, s13;
	s15 =	sor.u32 $0x900, s30  }
0x2b4: {  	[hbm4b:s31+s3] =	stream.linear.scatter [tilespmem:s15], [sflag:$0x1], $0x80, $0x38;
	[tilespmem:$0x1200] =	vst v63  }
0x2b5: {  	s0 =	sor.u32 $0xA00, s30;
	s31 =	sadd.s32 $0x540, s13  }
0x2b6: {  	[hbm4b:s31+s3] =	stream.linear.scatter [tilespmem:s0], [sflag:$0x1], $0x80, $0x38;
	[tilespmem:$0x1200] =	vst v63  }
0x2b7: {  	s0 =	sor.u32 $0xB00, s30;
	s31 =	sadd.s32 $0x5C0, s13  }
0x2b8: {  	[hbm4b:s31+s3] =	stream.linear.scatter [tilespmem:s0], [sflag:$0x1], $0x80, $0x38;
	[tilespmem:$0x1200] =	vst v63  }
0x2b9: {  	s0 =	sor.u32 $0xC00, s30;
	s31 =	sadd.s32 $0x640, s13  }
0x2ba: {  	[hbm4b:s31+s3] =	stream.linear.scatter [tilespmem:s0], [sflag:$0x1], $0x80, $0x38;
	[tilespmem:$0x1200] =	vst v63  }
0x2bb: {  	s0 =	sor.u32 $0xD00, s30;
	s31 =	sadd.s32 $0x6C0, s13  }
0x2bc: {  	[hbm4b:s31+s3] =	stream.linear.scatter [tilespmem:s0], [sflag:$0x1], $0x80, $0x38;
	[tilespmem:$0x1200] =	vst v63  }
0x2bd: {  	s0 =	sor.u32 $0xE00, s30;
	s31 =	sadd.s32 $0x740, s13  }
0x2be: {  	[hbm4b:s31+s3] =	stream.linear.scatter [tilespmem:s0], [sflag:$0x1], $0x80, $0x38;
	[tilespmem:$0x1200] =	vst v63  }
0x2bf: {  	s0 =	sor.u32 $0xF00, s30;
	s31 =	sadd.s32 $0x7C0, s13  }
0x2c0: {  	[hbm4b:s31+s3] =	stream.linear.scatter [tilespmem:s0], [sflag:$0x1], $0x80, $0x38;
	[tilespmem:$0x1200] =	vst v63  }
0x2c1: {  	s30 =	sadd.s32 $0x50, s13  }
0x2c2: {  	[hbm4b:s30+s3] =	stream.linear.scatter [tilespmem:s26], [sflag:$0x1], $0x80, $0x38;
	[tilespmem:$0x1200] =	vst v63  }
0x2c3: {  	s0 =	sor.u32 $0x100, s26;
	s31 =	sadd.s32 $0xD0, s13  }
0x2c4: {  	[hbm4b:s31+s3] =	stream.linear.scatter [tilespmem:s0], [sflag:$0x1], $0x80, $0x38;
	[tilespmem:$0x1200] =	vst v63  }
0x2c5: {  	s0 =	sor.u32 $0x200, s26;
	s31 =	sadd.s32 $0x150, s13  }
0x2c6: {  	[hbm4b:s31+s3] =	stream.linear.scatter [tilespmem:s0], [sflag:$0x1], $0x80, $0x38;
	[tilespmem:$0x1200] =	vst v63  }
0x2c7: {  	s0 =	sor.u32 $0x300, s26;
	s31 =	sadd.s32 $0x1D0, s13  }
0x2c8: {  	[hbm4b:s31+s3] =	stream.linear.scatter [tilespmem:s0], [sflag:$0x1], $0x80, $0x38;
	[tilespmem:$0x1200] =	vst v63  }
0x2c9: {  	s0 =	sor.u32 $0x400, s26;
	s31 =	sadd.s32 $0x250, s13  }
0x2ca: {  	[hbm4b:s31+s3] =	stream.linear.scatter [tilespmem:s0], [sflag:$0x1], $0x80, $0x38;
	[tilespmem:$0x1200] =	vst v63  }
0x2cb: {  	s0 =	sor.u32 $0x500, s26;
	s31 =	sadd.s32 $0x2D0, s13  }
0x2cc: {  	[hbm4b:s31+s3] =	stream.linear.scatter [tilespmem:s0], [sflag:$0x1], $0x80, $0x38;
	[tilespmem:$0x1200] =	vst v63  }
0x2cd: {  	s0 =	sor.u32 $0x600, s26;
	s31 =	sadd.s32 $0x350, s13  }
0x2ce: {  	[hbm4b:s31+s3] =	stream.linear.scatter [tilespmem:s0], [sflag:$0x1], $0x80, $0x38;
	[tilespmem:$0x1200] =	vst v63  }
0x2cf: {  	s0 =	sor.u32 $0x700, s26;
	s31 =	sadd.s32 $0x3D0, s13  }
0x2d0: {  	[hbm4b:s31+s3] =	stream.linear.scatter [tilespmem:s0], [sflag:$0x1], $0x80, $0x38;
	[tilespmem:$0x1200] =	vst v63  }
0x2d1: {  	s0 =	sor.u32 $0x800, s26;
	s31 =	sadd.s32 $0x450, s13  }
0x2d2: {  	[hbm4b:s31+s3] =	stream.linear.scatter [tilespmem:s0], [sflag:$0x1], $0x80, $0x38;
	[tilespmem:$0x1200] =	vst v63  }
0x2d3: {  	s0 =	sor.u32 $0x900, s26;
	s31 =	sadd.s32 $0x4D0, s13  }
0x2d4: {  	[hbm4b:s31+s3] =	stream.linear.scatter [tilespmem:s0], [sflag:$0x1], $0x80, $0x38;
	[tilespmem:$0x1200] =	vst v63  }
0x2d5: {  	s0 =	sor.u32 $0xA00, s26;
	s31 =	sadd.s32 $0x550, s13  }
0x2d6: {  	[hbm4b:s31+s3] =	stream.linear.scatter [tilespmem:s0], [sflag:$0x1], $0x80, $0x38;
	[tilespmem:$0x1200] =	vst v63  }
0x2d7: {  	s0 =	sor.u32 $0xB00, s26;
	s31 =	sadd.s32 $0x5D0, s13  }
0x2d8: {  	[hbm4b:s31+s3] =	stream.linear.scatter [tilespmem:s0], [sflag:$0x1], $0x80, $0x38;
	[tilespmem:$0x1200] =	vst v63  }
0x2d9: {  	s0 =	sor.u32 $0xC00, s26;
	s31 =	sadd.s32 $0x650, s13  }
0x2da: {  	[hbm4b:s31+s3] =	stream.linear.scatter [tilespmem:s0], [sflag:$0x1], $0x80, $0x38;
	[tilespmem:$0x1200] =	vst v63  }
0x2db: {  	s0 =	sor.u32 $0xD00, s26;
	s31 =	sadd.s32 $0x6D0, s13  }
0x2dc: {  	[hbm4b:s31+s3] =	stream.linear.scatter [tilespmem:s0], [sflag:$0x1], $0x80, $0x38;
	[tilespmem:$0x1200] =	vst v63  }
0x2dd: {  	s0 =	sor.u32 $0xE00, s26;
	s31 =	sadd.s32 $0x750, s13  }
0x2de: {  	[hbm4b:s31+s3] =	stream.linear.scatter [tilespmem:s0], [sflag:$0x1], $0x80, $0x38;
	[tilespmem:$0x1200] =	vst v63  }
0x2df: {  	s28 =	sand.u32 $0xFFFFF000, s28;
	s30 =	sor.u32 $0xF00, s26;
	s31 =	sadd.s32 $0x7D0, s13  }
0x2e0: {  	[hbm4b:s31+s3] =	stream.linear.scatter [tilespmem:s30], [sflag:$0x1], $0x80, $0x38;
	[tilespmem:$0x1200] =	vst v63  }
0x2e1: {  	s26 =	sor.u32 s29, s28;
	s30 =	sadd.s32 $0x60, s13  }
0x2e2: {  	[hbm4b:s30+s3] =	stream.linear.scatter [tilespmem:s26], [sflag:$0x1], $0x80, $0x38;
	[tilespmem:$0x1200] =	vst v63  }
0x2e3: {  	s29 =	sadd.s32 $0xE0, s13;
	s31 =	sor.u32 $0x100, s26  }
0x2e4: {  	[hbm4b:s29+s3] =	stream.linear.scatter [tilespmem:s31], [sflag:$0x1], $0x80, $0x38;
	[tilespmem:$0x1200] =	vst v63  }
0x2e5: {  	s30 =	sor.u32 $0x200, s26;
	s31 =	sadd.s32 $0x160, s13  }
0x2e6: {  	[hbm4b:s31+s3] =	stream.linear.scatter [tilespmem:s30], [sflag:$0x1], $0x80, $0x38;
	[tilespmem:$0x1200] =	vst v63  }
0x2e7: {  	s29 =	sor.u32 $0x300, s26;
	s30 =	sadd.s32 $0x1E0, s13  }
0x2e8: {  	[hbm4b:s30+s3] =	stream.linear.scatter [tilespmem:s29], [sflag:$0x1], $0x80, $0x38;
	[tilespmem:$0x1200] =	vst v63  }
0x2e9: {  	s31 =	sor.u32 $0x400, s26;
	s29 =	sadd.s32 $0x260, s13  }
0x2ea: {  	[hbm4b:s29+s3] =	stream.linear.scatter [tilespmem:s31], [sflag:$0x1], $0x80, $0x38;
	[tilespmem:$0x1200] =	vst v63  }
0x2eb: {  	s30 =	sor.u32 $0x500, s26;
	s31 =	sadd.s32 $0x2E0, s13  }
0x2ec: {  	[hbm4b:s31+s3] =	stream.linear.scatter [tilespmem:s30], [sflag:$0x1], $0x80, $0x38;
	[tilespmem:$0x1200] =	vst v63  }
0x2ed: {  	s29 =	sor.u32 $0x600, s26;
	s30 =	sadd.s32 $0x360, s13  }
0x2ee: {  	[hbm4b:s30+s3] =	stream.linear.scatter [tilespmem:s29], [sflag:$0x1], $0x80, $0x38;
	[tilespmem:$0x1200] =	vst v63  }
0x2ef: {  	s31 =	sor.u32 $0x700, s26;
	s29 =	sadd.s32 $0x3E0, s13  }
0x2f0: {  	[hbm4b:s29+s3] =	stream.linear.scatter [tilespmem:s31], [sflag:$0x1], $0x80, $0x38;
	[tilespmem:$0x1200] =	vst v63  }
0x2f1: {  	s30 =	sor.u32 $0x800, s26;
	s31 =	sadd.s32 $0x460, s13  }
0x2f2: {  	[hbm4b:s31+s3] =	stream.linear.scatter [tilespmem:s30], [sflag:$0x1], $0x80, $0x38;
	[tilespmem:$0x1200] =	vst v63  }
0x2f3: {  	s29 =	sor.u32 $0x900, s26;
	s30 =	sadd.s32 $0x4E0, s13  }
0x2f4: {  	[hbm4b:s30+s3] =	stream.linear.scatter [tilespmem:s29], [sflag:$0x1], $0x80, $0x38;
	[tilespmem:$0x1200] =	vst v63  }
0x2f5: {  	s31 =	sor.u32 $0xA00, s26;
	s29 =	sadd.s32 $0x560, s13  }
0x2f6: {  	[hbm4b:s29+s3] =	stream.linear.scatter [tilespmem:s31], [sflag:$0x1], $0x80, $0x38;
	[tilespmem:$0x1200] =	vst v63  }
0x2f7: {  	s30 =	sor.u32 $0xB00, s26;
	s31 =	sadd.s32 $0x5E0, s13  }
0x2f8: {  	[hbm4b:s31+s3] =	stream.linear.scatter [tilespmem:s30], [sflag:$0x1], $0x80, $0x38;
	[tilespmem:$0x1200] =	vst v63  }
0x2f9: {  	s29 =	sor.u32 $0xC00, s26;
	s30 =	sadd.s32 $0x660, s13  }
0x2fa: {  	[hbm4b:s30+s3] =	stream.linear.scatter [tilespmem:s29], [sflag:$0x1], $0x80, $0x38;
	[tilespmem:$0x1200] =	vst v63  }
0x2fb: {  	s31 =	sor.u32 $0xD00, s26;
	s29 =	sadd.s32 $0x6E0, s13  }
0x2fc: {  	[hbm4b:s29+s3] =	stream.linear.scatter [tilespmem:s31], [sflag:$0x1], $0x80, $0x38;
	[tilespmem:$0x1200] =	vst v63  }
0x2fd: {  	s30 =	sor.u32 $0xE00, s26;
	s31 =	sadd.s32 $0x760, s13  }
0x2fe: {  	[hbm4b:s31+s3] =	stream.linear.scatter [tilespmem:s30], [sflag:$0x1], $0x80, $0x38;
	[tilespmem:$0x1200] =	vst v63  }
0x2ff: {  	s28 =	sadd.s32 $0x7E0, s13;
	s26 =	sor.u32 $0xF00, s26  }
0x300: {  	[hbm4b:s28+s3] =	stream.linear.scatter [tilespmem:s26], [sflag:$0x1], $0x80, $0x38;
	[tilespmem:$0x1200] =	vst v63  }
0x301: {  	s29 =	sadd.s32 $0x70, s13  }
0x302: {  	[hbm4b:s29+s3] =	stream.linear.scatter [tilespmem:s25], [sflag:$0x1], $0x80, $0x38;
	[tilespmem:$0x1200] =	vst v63  }
0x303: {  	s30 =	sor.u32 $0x100, s25;
	s31 =	sadd.s32 $0xF0, s13  }
0x304: {  	[hbm4b:s31+s3] =	stream.linear.scatter [tilespmem:s30], [sflag:$0x1], $0x80, $0x38;
	[tilespmem:$0x1200] =	vst v63  }
0x305: {  	s28 =	sor.u32 $0x200, s25;
	s29 =	sadd.s32 $0x170, s13  }
0x306: {  	[hbm4b:s29+s3] =	stream.linear.scatter [tilespmem:s28], [sflag:$0x1], $0x80, $0x38;
	[tilespmem:$0x1200] =	vst v63  }
0x307: {  	s30 =	sor.u32 $0x300, s25;
	s31 =	sadd.s32 $0x1F0, s13  }
0x308: {  	[hbm4b:s31+s3] =	stream.linear.scatter [tilespmem:s30], [sflag:$0x1], $0x80, $0x38;
	[tilespmem:$0x1200] =	vst v63  }
0x309: {  	s28 =	sor.u32 $0x400, s25;
	s29 =	sadd.s32 $0x270, s13  }
0x30a: {  	[hbm4b:s29+s3] =	stream.linear.scatter [tilespmem:s28], [sflag:$0x1], $0x80, $0x38;
	[tilespmem:$0x1200] =	vst v63  }
0x30b: {  	s30 =	sor.u32 $0x500, s25;
	s31 =	sadd.s32 $0x2F0, s13  }
0x30c: {  	[hbm4b:s31+s3] =	stream.linear.scatter [tilespmem:s30], [sflag:$0x1], $0x80, $0x38;
	[tilespmem:$0x1200] =	vst v63  }
0x30d: {  	s28 =	sor.u32 $0x600, s25;
	s29 =	sadd.s32 $0x370, s13  }
0x30e: {  	[hbm4b:s29+s3] =	stream.linear.scatter [tilespmem:s28], [sflag:$0x1], $0x80, $0x38;
	[tilespmem:$0x1200] =	vst v63  }
0x30f: {  	s30 =	sor.u32 $0x700, s25;
	s31 =	sadd.s32 $0x3F0, s13  }
0x310: {  	[hbm4b:s31+s3] =	stream.linear.scatter [tilespmem:s30], [sflag:$0x1], $0x80, $0x38;
	[tilespmem:$0x1200] =	vst v63  }
0x311: {  	s28 =	sor.u32 $0x800, s25;
	s29 =	sadd.s32 $0x470, s13  }
0x312: {  	[hbm4b:s29+s3] =	stream.linear.scatter [tilespmem:s28], [sflag:$0x1], $0x80, $0x38;
	[tilespmem:$0x1200] =	vst v63  }
0x313: {  	s30 =	sor.u32 $0x900, s25;
	s31 =	sadd.s32 $0x4F0, s13  }
0x314: {  	[hbm4b:s31+s3] =	stream.linear.scatter [tilespmem:s30], [sflag:$0x1], $0x80, $0x38;
	[tilespmem:$0x1200] =	vst v63  }
0x315: {  	s28 =	sor.u32 $0xA00, s25;
	s29 =	sadd.s32 $0x570, s13  }
0x316: {  	[hbm4b:s29+s3] =	stream.linear.scatter [tilespmem:s28], [sflag:$0x1], $0x80, $0x38;
	[tilespmem:$0x1200] =	vst v63  }
0x317: {  	s30 =	sor.u32 $0xB00, s25;
	s31 =	sadd.s32 $0x5F0, s13  }
0x318: {  	[hbm4b:s31+s3] =	stream.linear.scatter [tilespmem:s30], [sflag:$0x1], $0x80, $0x38;
	[tilespmem:$0x1200] =	vst v63  }
0x319: {  	s28 =	sor.u32 $0xC00, s25;
	s29 =	sadd.s32 $0x670, s13  }
0x31a: {  	[hbm4b:s29+s3] =	stream.linear.scatter [tilespmem:s28], [sflag:$0x1], $0x80, $0x38;
	[tilespmem:$0x1200] =	vst v63  }
0x31b: {  	s30 =	sor.u32 $0xD00, s25;
	s31 =	sadd.s32 $0x6F0, s13  }
0x31c: {  	[hbm4b:s31+s3] =	stream.linear.scatter [tilespmem:s30], [sflag:$0x1], $0x80, $0x38;
	[tilespmem:$0x1200] =	vst v63  }
0x31d: {  	s28 =	sor.u32 $0xE00, s25;
	s29 =	sadd.s32 $0x770, s13  }
0x31e: {  	[hbm4b:s29+s3] =	stream.linear.scatter [tilespmem:s28], [sflag:$0x1], $0x80, $0x38;
	[tilespmem:$0x1200] =	vst v63  }
0x31f: {  	s30 =	sor.u32 $0xF00, s25;
	s31 =	sadd.s32 $0x7F0, s13  }
0x320: {  	[hbm4b:s31+s3] =	stream.linear.scatter [tilespmem:s30], [sflag:$0x1], $0x80, $0x38;
	[tilespmem:$0x1200] =	vst v63  }
0x321: {  	s26 =	sadd.s32 $0x800, s13  }
0x322: {  	[hbm4b:s26+s3] =	stream.linear.scatter [tilespmem:s22], [sflag:$0x1], $0x80, $0x38;
	[tilespmem:$0x1200] =	vst v63  }
0x323: {  	s28 =	sor.u32 $0x100, s22;
	s29 =	sadd.s32 $0x880, s13  }
0x324: {  	[hbm4b:s29+s3] =	stream.linear.scatter [tilespmem:s28], [sflag:$0x1], $0x80, $0x38;
	[tilespmem:$0x1200] =	vst v63  }
0x325: {  	s30 =	sor.u32 $0x200, s22;
	s31 =	sadd.s32 $0x900, s13  }
0x326: {  	[hbm4b:s31+s3] =	stream.linear.scatter [tilespmem:s30], [sflag:$0x1], $0x80, $0x38;
	[tilespmem:$0x1200] =	vst v63  }
0x327: {  	s25 =	sor.u32 $0x300, s22;
	s26 =	sadd.s32 $0x980, s13  }
0x328: {  	[hbm4b:s26+s3] =	stream.linear.scatter [tilespmem:s25], [sflag:$0x1], $0x80, $0x38;
	[tilespmem:$0x1200] =	vst v63  }
0x329: {  	s28 =	sor.u32 $0x400, s22;
	s29 =	sadd.s32 $0xA00, s13  }
0x32a: {  	[hbm4b:s29+s3] =	stream.linear.scatter [tilespmem:s28], [sflag:$0x1], $0x80, $0x38;
	[tilespmem:$0x1200] =	vst v63  }
0x32b: {  	s30 =	sor.u32 $0x500, s22;
	s31 =	sadd.s32 $0xA80, s13  }
0x32c: {  	[hbm4b:s31+s3] =	stream.linear.scatter [tilespmem:s30], [sflag:$0x1], $0x80, $0x38;
	[tilespmem:$0x1200] =	vst v63  }
0x32d: {  	s25 =	sor.u32 $0x600, s22;
	s26 =	sadd.s32 $0xB00, s13  }
0x32e: {  	[hbm4b:s26+s3] =	stream.linear.scatter [tilespmem:s25], [sflag:$0x1], $0x80, $0x38;
	[tilespmem:$0x1200] =	vst v63  }
0x32f: {  	s28 =	sor.u32 $0x700, s22;
	s29 =	sadd.s32 $0xB80, s13  }
0x330: {  	[hbm4b:s29+s3] =	stream.linear.scatter [tilespmem:s28], [sflag:$0x1], $0x80, $0x38;
	[tilespmem:$0x1200] =	vst v63  }
0x331: {  	s30 =	sor.u32 $0x800, s22;
	s31 =	sadd.s32 $0xC00, s13  }
0x332: {  	[hbm4b:s31+s3] =	stream.linear.scatter [tilespmem:s30], [sflag:$0x1], $0x80, $0x38;
	[tilespmem:$0x1200] =	vst v63  }
0x333: {  	s25 =	sor.u32 $0x900, s22;
	s26 =	sadd.s32 $0xC80, s13  }
0x334: {  	[hbm4b:s26+s3] =	stream.linear.scatter [tilespmem:s25], [sflag:$0x1], $0x80, $0x38;
	[tilespmem:$0x1200] =	vst v63  }
0x335: {  	s28 =	sor.u32 $0xA00, s22;
	s29 =	sadd.s32 $0xD00, s13  }
0x336: {  	[hbm4b:s29+s3] =	stream.linear.scatter [tilespmem:s28], [sflag:$0x1], $0x80, $0x38;
	[tilespmem:$0x1200] =	vst v63  }
0x337: {  	s30 =	sor.u32 $0xB00, s22;
	s31 =	sadd.s32 $0xD80, s13  }
0x338: {  	[hbm4b:s31+s3] =	stream.linear.scatter [tilespmem:s30], [sflag:$0x1], $0x80, $0x38;
	[tilespmem:$0x1200] =	vst v63  }
0x339: {  	s25 =	sor.u32 $0xC00, s22;
	s26 =	sadd.s32 $0xE00, s13  }
0x33a: {  	[hbm4b:s26+s3] =	stream.linear.scatter [tilespmem:s25], [sflag:$0x1], $0x80, $0x38;
	[tilespmem:$0x1200] =	vst v63  }
0x33b: {  	s28 =	sor.u32 $0xD00, s22;
	s29 =	sadd.s32 $0xE80, s13  }
0x33c: {  	[hbm4b:s29+s3] =	stream.linear.scatter [tilespmem:s28], [sflag:$0x1], $0x80, $0x38;
	[tilespmem:$0x1200] =	vst v63  }
0x33d: {  	s30 =	sor.u32 $0xE00, s22;
	s31 =	sadd.s32 $0xF00, s13  }
0x33e: {  	[hbm4b:s31+s3] =	stream.linear.scatter [tilespmem:s30], [sflag:$0x1], $0x80, $0x38;
	[tilespmem:$0x1200] =	vst v63  }
0x33f: {  	s24 =	sand.u32 $0x80, s24;
	s22 =	sor.u32 $0xF00, s22;
	s25 =	sadd.s32 $0xF80, s13  }
0x340: {  	[hbm4b:s25+s3] =	stream.linear.scatter [tilespmem:s22], [sflag:$0x1], $0x80, $0x38;
	[tilespmem:$0x1200] =	vst v63  }
0x341: {  	s26 =	sadd.s32 $0x810, s13;
	s22 =	sor.u32 s24, s23  }
0x342: {  	[hbm4b:s26+s3] =	stream.linear.scatter [tilespmem:s22], [sflag:$0x1], $0x80, $0x38;
	[tilespmem:$0x1200] =	vst v63  }
0x343: {  	s29 =	sadd.s32 $0x890, s13;
	s28 =	sor.u32 $0x100, s22  }
0x344: {  	[hbm4b:s29+s3] =	stream.linear.scatter [tilespmem:s28], [sflag:$0x1], $0x80, $0x38;
	[tilespmem:$0x1200] =	vst v63  }
0x345: {  	s31 =	sadd.s32 $0x910, s13;
	s30 =	sor.u32 $0x200, s22  }
0x346: {  	[hbm4b:s31+s3] =	stream.linear.scatter [tilespmem:s30], [sflag:$0x1], $0x80, $0x38;
	[tilespmem:$0x1200] =	vst v63  }
0x347: {  	s24 =	sadd.s32 $0x990, s13;
	s23 =	sor.u32 $0x300, s22  }
0x348: {  	[hbm4b:s24+s3] =	stream.linear.scatter [tilespmem:s23], [sflag:$0x1], $0x80, $0x38;
	[tilespmem:$0x1200] =	vst v63  }
0x349: {  	s25 =	sor.u32 $0x400, s22;
	s26 =	sadd.s32 $0xA10, s13  }
0x34a: {  	[hbm4b:s26+s3] =	stream.linear.scatter [tilespmem:s25], [sflag:$0x1], $0x80, $0x38;
	[tilespmem:$0x1200] =	vst v63  }
0x34b: {  	s28 =	sor.u32 $0x500, s22;
	s29 =	sadd.s32 $0xA90, s13  }
0x34c: {  	[hbm4b:s29+s3] =	stream.linear.scatter [tilespmem:s28], [sflag:$0x1], $0x80, $0x38;
	[tilespmem:$0x1200] =	vst v63  }
0x34d: {  	s30 =	sor.u32 $0x600, s22;
	s31 =	sadd.s32 $0xB10, s13  }
0x34e: {  	[hbm4b:s31+s3] =	stream.linear.scatter [tilespmem:s30], [sflag:$0x1], $0x80, $0x38;
	[tilespmem:$0x1200] =	vst v63  }
0x34f: {  	s23 =	sor.u32 $0x700, s22;
	s24 =	sadd.s32 $0xB90, s13  }
0x350: {  	[hbm4b:s24+s3] =	stream.linear.scatter [tilespmem:s23], [sflag:$0x1], $0x80, $0x38;
	[tilespmem:$0x1200] =	vst v63  }
0x351: {  	s25 =	sor.u32 $0x800, s22;
	s26 =	sadd.s32 $0xC10, s13  }
0x352: {  	[hbm4b:s26+s3] =	stream.linear.scatter [tilespmem:s25], [sflag:$0x1], $0x80, $0x38;
	[tilespmem:$0x1200] =	vst v63  }
0x353: {  	s28 =	sor.u32 $0x900, s22;
	s29 =	sadd.s32 $0xC90, s13  }
0x354: {  	[hbm4b:s29+s3] =	stream.linear.scatter [tilespmem:s28], [sflag:$0x1], $0x80, $0x38;
	[tilespmem:$0x1200] =	vst v63  }
0x355: {  	s30 =	sor.u32 $0xA00, s22;
	s31 =	sadd.s32 $0xD10, s13  }
0x356: {  	[hbm4b:s31+s3] =	stream.linear.scatter [tilespmem:s30], [sflag:$0x1], $0x80, $0x38;
	[tilespmem:$0x1200] =	vst v63  }
0x357: {  	s23 =	sor.u32 $0xB00, s22;
	s24 =	sadd.s32 $0xD90, s13  }
0x358: {  	[hbm4b:s24+s3] =	stream.linear.scatter [tilespmem:s23], [sflag:$0x1], $0x80, $0x38;
	[tilespmem:$0x1200] =	vst v63  }
0x359: {  	s25 =	sor.u32 $0xC00, s22;
	s26 =	sadd.s32 $0xE10, s13  }
0x35a: {  	[hbm4b:s26+s3] =	stream.linear.scatter [tilespmem:s25], [sflag:$0x1], $0x80, $0x38;
	[tilespmem:$0x1200] =	vst v63  }
0x35b: {  	s28 =	sor.u32 $0xD00, s22;
	s29 =	sadd.s32 $0xE90, s13  }
0x35c: {  	[hbm4b:s29+s3] =	stream.linear.scatter [tilespmem:s28], [sflag:$0x1], $0x80, $0x38;
	[tilespmem:$0x1200] =	vst v63  }
0x35d: {  	s30 =	sor.u32 $0xE00, s22;
	s31 =	sadd.s32 $0xF10, s13  }
0x35e: {  	[hbm4b:s31+s3] =	stream.linear.scatter [tilespmem:s30], [sflag:$0x1], $0x80, $0x38;
	[tilespmem:$0x1200] =	vst v63  }
0x35f: {  	s22 =	sor.u32 $0xF00, s22;
	s23 =	sadd.s32 $0xF90, s13  }
0x360: {  	[hbm4b:s23+s3] =	stream.linear.scatter [tilespmem:s22], [sflag:$0x1], $0x80, $0x38;
	[tilespmem:$0x1200] =	vst v63  }
0x361: {  	s24 =	sadd.s32 $0x820, s13  }
0x362: {  	[hbm4b:s24+s3] =	stream.linear.scatter [tilespmem:s21], [sflag:$0x1], $0x80, $0x38;
	[tilespmem:$0x1200] =	vst v63  }
0x363: {  	s25 =	sor.u32 $0x100, s21;
	s26 =	sadd.s32 $0x8A0, s13  }
0x364: {  	[hbm4b:s26+s3] =	stream.linear.scatter [tilespmem:s25], [sflag:$0x1], $0x80, $0x38;
	[tilespmem:$0x1200] =	vst v63  }
0x365: {  	s28 =	sor.u32 $0x200, s21;
	s29 =	sadd.s32 $0x920, s13  }
0x366: {  	[hbm4b:s29+s3] =	stream.linear.scatter [tilespmem:s28], [sflag:$0x1], $0x80, $0x38;
	[tilespmem:$0x1200] =	vst v63  }
0x367: {  	s30 =	sor.u32 $0x300, s21;
	s31 =	sadd.s32 $0x9A0, s13  }
0x368: {  	[hbm4b:s31+s3] =	stream.linear.scatter [tilespmem:s30], [sflag:$0x1], $0x80, $0x38;
	[tilespmem:$0x1200] =	vst v63  }
0x369: {  	s23 =	sor.u32 $0x400, s21;
	s24 =	sadd.s32 $0xA20, s13  }
0x36a: {  	[hbm4b:s24+s3] =	stream.linear.scatter [tilespmem:s23], [sflag:$0x1], $0x80, $0x38;
	[tilespmem:$0x1200] =	vst v63  }
0x36b: {  	s25 =	sor.u32 $0x500, s21;
	s26 =	sadd.s32 $0xAA0, s13  }
0x36c: {  	[hbm4b:s26+s3] =	stream.linear.scatter [tilespmem:s25], [sflag:$0x1], $0x80, $0x38;
	[tilespmem:$0x1200] =	vst v63  }
0x36d: {  	s28 =	sor.u32 $0x600, s21;
	s29 =	sadd.s32 $0xB20, s13  }
0x36e: {  	[hbm4b:s29+s3] =	stream.linear.scatter [tilespmem:s28], [sflag:$0x1], $0x80, $0x38;
	[tilespmem:$0x1200] =	vst v63  }
0x36f: {  	s30 =	sor.u32 $0x700, s21;
	s31 =	sadd.s32 $0xBA0, s13  }
0x370: {  	[hbm4b:s31+s3] =	stream.linear.scatter [tilespmem:s30], [sflag:$0x1], $0x80, $0x38;
	[tilespmem:$0x1200] =	vst v63  }
0x371: {  	s23 =	sor.u32 $0x800, s21;
	s24 =	sadd.s32 $0xC20, s13  }
0x372: {  	[hbm4b:s24+s3] =	stream.linear.scatter [tilespmem:s23], [sflag:$0x1], $0x80, $0x38;
	[tilespmem:$0x1200] =	vst v63  }
0x373: {  	s25 =	sor.u32 $0x900, s21;
	s26 =	sadd.s32 $0xCA0, s13  }
0x374: {  	[hbm4b:s26+s3] =	stream.linear.scatter [tilespmem:s25], [sflag:$0x1], $0x80, $0x38;
	[tilespmem:$0x1200] =	vst v63  }
0x375: {  	s28 =	sor.u32 $0xA00, s21;
	s29 =	sadd.s32 $0xD20, s13  }
0x376: {  	[hbm4b:s29+s3] =	stream.linear.scatter [tilespmem:s28], [sflag:$0x1], $0x80, $0x38;
	[tilespmem:$0x1200] =	vst v63  }
0x377: {  	s30 =	sor.u32 $0xB00, s21;
	s31 =	sadd.s32 $0xDA0, s13  }
0x378: {  	[hbm4b:s31+s3] =	stream.linear.scatter [tilespmem:s30], [sflag:$0x1], $0x80, $0x38;
	[tilespmem:$0x1200] =	vst v63  }
0x379: {  	s23 =	sor.u32 $0xC00, s21;
	s24 =	sadd.s32 $0xE20, s13  }
0x37a: {  	[hbm4b:s24+s3] =	stream.linear.scatter [tilespmem:s23], [sflag:$0x1], $0x80, $0x38;
	[tilespmem:$0x1200] =	vst v63  }
0x37b: {  	s25 =	sor.u32 $0xD00, s21;
	s26 =	sadd.s32 $0xEA0, s13  }
0x37c: {  	[hbm4b:s26+s3] =	stream.linear.scatter [tilespmem:s25], [sflag:$0x1], $0x80, $0x38;
	[tilespmem:$0x1200] =	vst v63  }
0x37d: {  	s28 =	sor.u32 $0xE00, s21;
	s29 =	sadd.s32 $0xF20, s13  }
0x37e: {  	[hbm4b:s29+s3] =	stream.linear.scatter [tilespmem:s28], [sflag:$0x1], $0x80, $0x38;
	[tilespmem:$0x1200] =	vst v63  }
0x37f: {  	s30 =	sor.u32 $0xF00, s21;
	s31 =	sadd.s32 $0xFA0, s13  }
0x380: {  	[hbm4b:s31+s3] =	stream.linear.scatter [tilespmem:s30], [sflag:$0x1], $0x80, $0x38;
	[tilespmem:$0x1200] =	vst v63  }
0x381: {  	s22 =	sadd.s32 $0x830, s13  }
0x382: {  	[hbm4b:s22+s3] =	stream.linear.scatter [tilespmem:s20], [sflag:$0x1], $0x80, $0x38;
	[tilespmem:$0x1200] =	vst v63  }
0x383: {  	s23 =	sor.u32 $0x100, s20;
	s24 =	sadd.s32 $0x8B0, s13  }
0x384: {  	[hbm4b:s24+s3] =	stream.linear.scatter [tilespmem:s23], [sflag:$0x1], $0x80, $0x38;
	[tilespmem:$0x1200] =	vst v63  }
0x385: {  	s25 =	sor.u32 $0x200, s20;
	s26 =	sadd.s32 $0x930, s13  }
0x386: {  	[hbm4b:s26+s3] =	stream.linear.scatter [tilespmem:s25], [sflag:$0x1], $0x80, $0x38;
	[tilespmem:$0x1200] =	vst v63  }
0x387: {  	s28 =	sor.u32 $0x300, s20;
	s29 =	sadd.s32 $0x9B0, s13  }
0x388: {  	[hbm4b:s29+s3] =	stream.linear.scatter [tilespmem:s28], [sflag:$0x1], $0x80, $0x38;
	[tilespmem:$0x1200] =	vst v63  }
0x389: {  	s30 =	sor.u32 $0x400, s20;
	s31 =	sadd.s32 $0xA30, s13  }
0x38a: {  	[hbm4b:s31+s3] =	stream.linear.scatter [tilespmem:s30], [sflag:$0x1], $0x80, $0x38;
	[tilespmem:$0x1200] =	vst v63  }
0x38b: {  	s21 =	sor.u32 $0x500, s20;
	s22 =	sadd.s32 $0xAB0, s13  }
0x38c: {  	[hbm4b:s22+s3] =	stream.linear.scatter [tilespmem:s21], [sflag:$0x1], $0x80, $0x38;
	[tilespmem:$0x1200] =	vst v63  }
0x38d: {  	s23 =	sor.u32 $0x600, s20;
	s24 =	sadd.s32 $0xB30, s13  }
0x38e: {  	[hbm4b:s24+s3] =	stream.linear.scatter [tilespmem:s23], [sflag:$0x1], $0x80, $0x38;
	[tilespmem:$0x1200] =	vst v63  }
0x38f: {  	s25 =	sor.u32 $0x700, s20;
	s26 =	sadd.s32 $0xBB0, s13  }
0x390: {  	[hbm4b:s26+s3] =	stream.linear.scatter [tilespmem:s25], [sflag:$0x1], $0x80, $0x38;
	[tilespmem:$0x1200] =	vst v63  }
0x391: {  	s28 =	sor.u32 $0x800, s20;
	s29 =	sadd.s32 $0xC30, s13  }
0x392: {  	[hbm4b:s29+s3] =	stream.linear.scatter [tilespmem:s28], [sflag:$0x1], $0x80, $0x38;
	[tilespmem:$0x1200] =	vst v63  }
0x393: {  	s30 =	sor.u32 $0x900, s20;
	s31 =	sadd.s32 $0xCB0, s13  }
0x394: {  	[hbm4b:s31+s3] =	stream.linear.scatter [tilespmem:s30], [sflag:$0x1], $0x80, $0x38;
	[tilespmem:$0x1200] =	vst v63  }
0x395: {  	s21 =	sor.u32 $0xA00, s20;
	s22 =	sadd.s32 $0xD30, s13  }
0x396: {  	[hbm4b:s22+s3] =	stream.linear.scatter [tilespmem:s21], [sflag:$0x1], $0x80, $0x38;
	[tilespmem:$0x1200] =	vst v63  }
0x397: {  	s23 =	sor.u32 $0xB00, s20;
	s24 =	sadd.s32 $0xDB0, s13  }
0x398: {  	[hbm4b:s24+s3] =	stream.linear.scatter [tilespmem:s23], [sflag:$0x1], $0x80, $0x38;
	[tilespmem:$0x1200] =	vst v63  }
0x399: {  	s25 =	sor.u32 $0xC00, s20;
	s26 =	sadd.s32 $0xE30, s13  }
0x39a: {  	[hbm4b:s26+s3] =	stream.linear.scatter [tilespmem:s25], [sflag:$0x1], $0x80, $0x38;
	[tilespmem:$0x1200] =	vst v63  }
0x39b: {  	s28 =	sor.u32 $0xD00, s20;
	s29 =	sadd.s32 $0xEB0, s13  }
0x39c: {  	[hbm4b:s29+s3] =	stream.linear.scatter [tilespmem:s28], [sflag:$0x1], $0x80, $0x38;
	[tilespmem:$0x1200] =	vst v63  }
0x39d: {  	s30 =	sor.u32 $0xE00, s20;
	s31 =	sadd.s32 $0xF30, s13  }
0x39e: {  	[hbm4b:s31+s3] =	stream.linear.scatter [tilespmem:s30], [sflag:$0x1], $0x80, $0x38;
	[tilespmem:$0x1200] =	vst v63  }
0x39f: {  	s22 =	sor.u32 $0xF00, s20;
	s23 =	sadd.s32 $0xFB0, s13  }
0x3a0: {  	[hbm4b:s23+s3] =	stream.linear.scatter [tilespmem:s22], [sflag:$0x1], $0x80, $0x38;
	[tilespmem:$0x1200] =	vst v63  }
0x3a1: {  	s24 =	sadd.s32 $0x840, s13  }
0x3a2: {  	[hbm4b:s24+s3] =	stream.linear.scatter [tilespmem:s17], [sflag:$0x1], $0x80, $0x38;
	[tilespmem:$0x1200] =	vst v63  }
0x3a3: {  	s25 =	sor.u32 $0x100, s17;
	s26 =	sadd.s32 $0x8C0, s13  }
0x3a4: {  	[hbm4b:s26+s3] =	stream.linear.scatter [tilespmem:s25], [sflag:$0x1], $0x80, $0x38;
	[tilespmem:$0x1200] =	vst v63  }
0x3a5: {  	s28 =	sor.u32 $0x200, s17;
	s29 =	sadd.s32 $0x940, s13  }
0x3a6: {  	[hbm4b:s29+s3] =	stream.linear.scatter [tilespmem:s28], [sflag:$0x1], $0x80, $0x38;
	[tilespmem:$0x1200] =	vst v63  }
0x3a7: {  	s30 =	sor.u32 $0x300, s17;
	s31 =	sadd.s32 $0x9C0, s13  }
0x3a8: {  	[hbm4b:s31+s3] =	stream.linear.scatter [tilespmem:s30], [sflag:$0x1], $0x80, $0x38;
	[tilespmem:$0x1200] =	vst v63  }
0x3a9: {  	s21 =	sor.u32 $0x400, s17;
	s22 =	sadd.s32 $0xA40, s13  }
0x3aa: {  	[hbm4b:s22+s3] =	stream.linear.scatter [tilespmem:s21], [sflag:$0x1], $0x80, $0x38;
	[tilespmem:$0x1200] =	vst v63  }
0x3ab: {  	s23 =	sor.u32 $0x500, s17;
	s24 =	sadd.s32 $0xAC0, s13  }
0x3ac: {  	[hbm4b:s24+s3] =	stream.linear.scatter [tilespmem:s23], [sflag:$0x1], $0x80, $0x38;
	[tilespmem:$0x1200] =	vst v63  }
0x3ad: {  	s25 =	sor.u32 $0x600, s17;
	s26 =	sadd.s32 $0xB40, s13  }
0x3ae: {  	[hbm4b:s26+s3] =	stream.linear.scatter [tilespmem:s25], [sflag:$0x1], $0x80, $0x38;
	[tilespmem:$0x1200] =	vst v63  }
0x3af: {  	s28 =	sor.u32 $0x700, s17;
	s29 =	sadd.s32 $0xBC0, s13  }
0x3b0: {  	[hbm4b:s29+s3] =	stream.linear.scatter [tilespmem:s28], [sflag:$0x1], $0x80, $0x38;
	[tilespmem:$0x1200] =	vst v63  }
0x3b1: {  	s30 =	sor.u32 $0x800, s17;
	s31 =	sadd.s32 $0xC40, s13  }
0x3b2: {  	[hbm4b:s31+s3] =	stream.linear.scatter [tilespmem:s30], [sflag:$0x1], $0x80, $0x38;
	[tilespmem:$0x1200] =	vst v63  }
0x3b3: {  	s21 =	sor.u32 $0x900, s17;
	s22 =	sadd.s32 $0xCC0, s13  }
0x3b4: {  	[hbm4b:s22+s3] =	stream.linear.scatter [tilespmem:s21], [sflag:$0x1], $0x80, $0x38;
	[tilespmem:$0x1200] =	vst v63  }
0x3b5: {  	s23 =	sor.u32 $0xA00, s17;
	s24 =	sadd.s32 $0xD40, s13  }
0x3b6: {  	[hbm4b:s24+s3] =	stream.linear.scatter [tilespmem:s23], [sflag:$0x1], $0x80, $0x38;
	[tilespmem:$0x1200] =	vst v63  }
0x3b7: {  	s25 =	sor.u32 $0xB00, s17;
	s26 =	sadd.s32 $0xDC0, s13  }
0x3b8: {  	[hbm4b:s26+s3] =	stream.linear.scatter [tilespmem:s25], [sflag:$0x1], $0x80, $0x38;
	[tilespmem:$0x1200] =	vst v63  }
0x3b9: {  	s28 =	sor.u32 $0xC00, s17;
	s29 =	sadd.s32 $0xE40, s13  }
0x3ba: {  	[hbm4b:s29+s3] =	stream.linear.scatter [tilespmem:s28], [sflag:$0x1], $0x80, $0x38;
	[tilespmem:$0x1200] =	vst v63  }
0x3bb: {  	s30 =	sor.u32 $0xD00, s17;
	s31 =	sadd.s32 $0xEC0, s13  }
0x3bc: {  	[hbm4b:s31+s3] =	stream.linear.scatter [tilespmem:s30], [sflag:$0x1], $0x80, $0x38;
	[tilespmem:$0x1200] =	vst v63  }
0x3bd: {  	s19 =	sshll.u32 s19, $0x7;
	s20 =	sor.u32 $0xE00, s17;
	s21 =	sadd.s32 $0xF40, s13  }
0x3be: {  	[hbm4b:s21+s3] =	stream.linear.scatter [tilespmem:s20], [sflag:$0x1], $0x80, $0x38;
	[tilespmem:$0x1200] =	vst v63  }
0x3bf: {  	s19 =	sand.u32 $0x80, s19;
	s22 =	sor.u32 $0xF00, s17;
	s23 =	sadd.s32 $0xFC0, s13  }
0x3c0: {  	[hbm4b:s23+s3] =	stream.linear.scatter [tilespmem:s22], [sflag:$0x1], $0x80, $0x38;
	[tilespmem:$0x1200] =	vst v63  }
0x3c1: {  	s17 =	sor.u32 s19, s18;
	s24 =	sadd.s32 $0x850, s13  }
0x3c2: {  	[hbm4b:s24+s3] =	stream.linear.scatter [tilespmem:s17], [sflag:$0x1], $0x80, $0x38;
	[tilespmem:$0x1200] =	vst v63  }
0x3c3: {  	s25 =	sor.u32 $0x100, s17;
	s26 =	sadd.s32 $0x8D0, s13  }
0x3c4: {  	[hbm4b:s26+s3] =	stream.linear.scatter [tilespmem:s25], [sflag:$0x1], $0x80, $0x38;
	[tilespmem:$0x1200] =	vst v63  }
0x3c5: {  	s28 =	sor.u32 $0x200, s17;
	s29 =	sadd.s32 $0x950, s13  }
0x3c6: {  	[hbm4b:s29+s3] =	stream.linear.scatter [tilespmem:s28], [sflag:$0x1], $0x80, $0x38;
	[tilespmem:$0x1200] =	vst v63  }
0x3c7: {  	s30 =	sor.u32 $0x300, s17;
	s31 =	sadd.s32 $0x9D0, s13  }
0x3c8: {  	[hbm4b:s31+s3] =	stream.linear.scatter [tilespmem:s30], [sflag:$0x1], $0x80, $0x38;
	[tilespmem:$0x1200] =	vst v63  }
0x3c9: {  	s19 =	sor.u32 $0x400, s17;
	s20 =	sadd.s32 $0xA50, s13  }
0x3ca: {  	[hbm4b:s20+s3] =	stream.linear.scatter [tilespmem:s19], [sflag:$0x1], $0x80, $0x38;
	[tilespmem:$0x1200] =	vst v63  }
0x3cb: {  	s21 =	sor.u32 $0x500, s17;
	s22 =	sadd.s32 $0xAD0, s13  }
0x3cc: {  	[hbm4b:s22+s3] =	stream.linear.scatter [tilespmem:s21], [sflag:$0x1], $0x80, $0x38;
	[tilespmem:$0x1200] =	vst v63  }
0x3cd: {  	s23 =	sor.u32 $0x600, s17;
	s24 =	sadd.s32 $0xB50, s13  }
0x3ce: {  	[hbm4b:s24+s3] =	stream.linear.scatter [tilespmem:s23], [sflag:$0x1], $0x80, $0x38;
	[tilespmem:$0x1200] =	vst v63  }
0x3cf: {  	s25 =	sor.u32 $0x700, s17;
	s26 =	sadd.s32 $0xBD0, s13  }
0x3d0: {  	[hbm4b:s26+s3] =	stream.linear.scatter [tilespmem:s25], [sflag:$0x1], $0x80, $0x38;
	[tilespmem:$0x1200] =	vst v63  }
0x3d1: {  	s28 =	sor.u32 $0x800, s17;
	s29 =	sadd.s32 $0xC50, s13  }
0x3d2: {  	[hbm4b:s29+s3] =	stream.linear.scatter [tilespmem:s28], [sflag:$0x1], $0x80, $0x38;
	[tilespmem:$0x1200] =	vst v63  }
0x3d3: {  	s30 =	sor.u32 $0x900, s17;
	s31 =	sadd.s32 $0xCD0, s13  }
0x3d4: {  	[hbm4b:s31+s3] =	stream.linear.scatter [tilespmem:s30], [sflag:$0x1], $0x80, $0x38;
	[tilespmem:$0x1200] =	vst v63  }
0x3d5: {  	s18 =	sor.u32 $0xA00, s17;
	s19 =	sadd.s32 $0xD50, s13  }
0x3d6: {  	[hbm4b:s19+s3] =	stream.linear.scatter [tilespmem:s18], [sflag:$0x1], $0x80, $0x38;
	[tilespmem:$0x1200] =	vst v63  }
0x3d7: {  	s20 =	sor.u32 $0xB00, s17;
	s21 =	sadd.s32 $0xDD0, s13  }
0x3d8: {  	[hbm4b:s21+s3] =	stream.linear.scatter [tilespmem:s20], [sflag:$0x1], $0x80, $0x38;
	[tilespmem:$0x1200] =	vst v63  }
0x3d9: {  	s22 =	sor.u32 $0xC00, s17;
	s23 =	sadd.s32 $0xE50, s13  }
0x3da: {  	[hbm4b:s23+s3] =	stream.linear.scatter [tilespmem:s22], [sflag:$0x1], $0x80, $0x38;
	[tilespmem:$0x1200] =	vst v63  }
0x3db: {  	s24 =	sor.u32 $0xD00, s17;
	s25 =	sadd.s32 $0xED0, s13  }
0x3dc: {  	[hbm4b:s25+s3] =	stream.linear.scatter [tilespmem:s24], [sflag:$0x1], $0x80, $0x38;
	[tilespmem:$0x1200] =	vst v63  }
0x3dd: {  	s26 =	sor.u32 $0xE00, s17;
	s28 =	sadd.s32 $0xF50, s13  }
0x3de: {  	[hbm4b:s28+s3] =	stream.linear.scatter [tilespmem:s26], [sflag:$0x1], $0x80, $0x38;
	[tilespmem:$0x1200] =	vst v63  }
0x3df: {  	s29 =	sor.u32 $0xF00, s17;
	s30 =	sadd.s32 $0xFD0, s13  }
0x3e0: {  	[hbm4b:s30+s3] =	stream.linear.scatter [tilespmem:s29], [sflag:$0x1], $0x80, $0x38;
	[tilespmem:$0x1200] =	vst v63  }
0x3e1: {  	s31 =	sadd.s32 $0x860, s13  }
0x3e2: {  	[hbm4b:s31+s3] =	stream.linear.scatter [tilespmem:s14], [sflag:$0x1], $0x80, $0x38;
	[tilespmem:$0x1200] =	vst v63  }
0x3e3: {  	s17 =	sor.u32 $0x100, s14;
	s18 =	sadd.s32 $0x8E0, s13  }
0x3e4: {  	[hbm4b:s18+s3] =	stream.linear.scatter [tilespmem:s17], [sflag:$0x1], $0x80, $0x38;
	[tilespmem:$0x1200] =	vst v63  }
0x3e5: {  	s19 =	sor.u32 $0x200, s14;
	s20 =	sadd.s32 $0x960, s13  }
0x3e6: {  	[hbm4b:s20+s3] =	stream.linear.scatter [tilespmem:s19], [sflag:$0x1], $0x80, $0x38;
	[tilespmem:$0x1200] =	vst v63  }
0x3e7: {  	s21 =	sor.u32 $0x300, s14;
	s22 =	sadd.s32 $0x9E0, s13  }
0x3e8: {  	(v2sf) =	vpush v0, $0xF;
	[hbm4b:s22+s3] =	stream.linear.scatter [tilespmem:s21], [sflag:$0x1], $0x80, $0x38;
	[tilespmem:$0x1200] =	vst v63  }
0x3e9: {  	s23 =	sor.u32 $0x400, s14;
	s24 =	sadd.s32 $0xA60, s13  }
0x3ea: {  	[hbm4b:s24+s3] =	stream.linear.scatter [tilespmem:s23], [sflag:$0x1], $0x80, $0x38;
	[tilespmem:$0x1200] =	vst v63  }
0x3eb: {  	s25 =	sor.u32 $0x500, s14;
	s26 =	sadd.s32 $0xAE0, s13  }
0x3ec: {  	[hbm4b:s26+s3] =	stream.linear.scatter [tilespmem:s25], [sflag:$0x1], $0x80, $0x38;
	[tilespmem:$0x1200] =	vst v63  }
0x3ed: {  	s28 =	sor.u32 $0x600, s14;
	s29 =	sadd.s32 $0xB60, s13  }
0x3ee: {  	[hbm4b:s29+s3] =	stream.linear.scatter [tilespmem:s28], [sflag:$0x1], $0x80, $0x38;
	[tilespmem:$0x1200] =	vst v63  }
0x3ef: {  	s30 =	sor.u32 $0x700, s14;
	s31 =	sadd.s32 $0xBE0, s13  }
0x3f0: {  	[hbm4b:s31+s3] =	stream.linear.scatter [tilespmem:s30], [sflag:$0x1], $0x80, $0x38;
	[tilespmem:$0x1200] =	vst v63  }
0x3f1: {  	s17 =	sor.u32 $0x800, s14;
	s18 =	sadd.s32 $0xC60, s13  }
0x3f2: {  	[hbm4b:s18+s3] =	stream.linear.scatter [tilespmem:s17], [sflag:$0x1], $0x80, $0x38;
	[tilespmem:$0x1200] =	vst v63  }
0x3f3: {  	s19 =	sor.u32 $0x900, s14;
	s20 =	sadd.s32 $0xCE0, s13  }
0x3f4: {  	[hbm4b:s20+s3] =	stream.linear.scatter [tilespmem:s19], [sflag:$0x1], $0x80, $0x38;
	[tilespmem:$0x1200] =	vst v63  }
0x3f5: {  	s21 =	sor.u32 $0xA00, s14;
	s22 =	sadd.s32 $0xD60, s13  }
0x3f6: {  	[hbm4b:s22+s3] =	stream.linear.scatter [tilespmem:s21], [sflag:$0x1], $0x80, $0x38;
	[tilespmem:$0x1200] =	vst v63  }
0x3f7: {  	s16 =	spop (v2sf);
	s23 =	sor.u32 $0xB00, s14;
	s24 =	sadd.s32 $0xDE0, s13  }
0x3f8: {  	[hbm4b:s24+s3] =	stream.linear.scatter [tilespmem:s23], [sflag:$0x1], $0x80, $0x38;
	[tilespmem:$0x1200] =	vst v63  }
0x3f9: {  	s15 =	sshll.u32 s16, $0xB;
	s25 =	sor.u32 $0xC00, s14;
	s26 =	sadd.s32 $0xE60, s13  }
0x3fa: {  	[hbm4b:s26+s3] =	stream.linear.scatter [tilespmem:s25], [sflag:$0x1], $0x80, $0x38;
	[tilespmem:$0x1200] =	vst v63  }
0x3fb: {  	s16 =	sshll.u32 s16, $0x7;
	s28 =	sor.u32 $0xD00, s14;
	s29 =	sadd.s32 $0xEE0, s13  }
0x3fc: {  	[hbm4b:s29+s3] =	stream.linear.scatter [tilespmem:s28], [sflag:$0x1], $0x80, $0x38;
	[tilespmem:$0x1200] =	vst v63  }
0x3fd: {  	s16 =	sand.u32 $0x80, s16;
	s30 =	sor.u32 $0xE00, s14;
	s31 =	sadd.s32 $0xF60, s13  }
0x3fe: {  	[hbm4b:s31+s3] =	stream.linear.scatter [tilespmem:s30], [sflag:$0x1], $0x80, $0x38;
	[tilespmem:$0x1200] =	vst v63  }
0x3ff: {  	s15 =	sand.u32 $0xFFFFF000, s15;
	s14 =	sor.u32 $0xF00, s14;
	s17 =	sadd.s32 $0xFE0, s13  }
0x400: {  	[hbm4b:s17+s3] =	stream.linear.scatter [tilespmem:s14], [sflag:$0x1], $0x80, $0x38;
	[tilespmem:$0x1200] =	vst v63  }
0x401: {  	s18 =	sadd.s32 $0x870, s13;
	s14 =	sor.u32 s16, s15  }
0x402: {  	[hbm4b:s18+s3] =	stream.linear.scatter [tilespmem:s14], [sflag:$0x1], $0x80, $0x38;
	[tilespmem:$0x1200] =	vst v63  }
0x403: {  	s20 =	sadd.s32 $0x8F0, s13;
	s19 =	sor.u32 $0x100, s14  }
0x404: {  	[hbm4b:s20+s3] =	stream.linear.scatter [tilespmem:s19], [sflag:$0x1], $0x80, $0x38;
	[tilespmem:$0x1200] =	vst v63  }
0x405: {  	s22 =	sadd.s32 $0x970, s13;
	s21 =	sor.u32 $0x200, s14  }
0x406: {  	[hbm4b:s22+s3] =	stream.linear.scatter [tilespmem:s21], [sflag:$0x1], $0x80, $0x38;
	[tilespmem:$0x1200] =	vst v63  }
0x407: {  	s24 =	sadd.s32 $0x9F0, s13;
	s23 =	sor.u32 $0x300, s14  }
0x408: {  	[hbm4b:s24+s3] =	stream.linear.scatter [tilespmem:s23], [sflag:$0x1], $0x80, $0x38;
	[tilespmem:$0x1200] =	vst v63  }
0x409: {  	s26 =	sadd.s32 $0xA70, s13;
	s25 =	sor.u32 $0x400, s14  }
0x40a: {  	[hbm4b:s26+s3] =	stream.linear.scatter [tilespmem:s25], [sflag:$0x1], $0x80, $0x38;
	[tilespmem:$0x1200] =	vst v63  }
0x40b: {  	s29 =	sadd.s32 $0xAF0, s13;
	s28 =	sor.u32 $0x500, s14  }
0x40c: {  	[hbm4b:s29+s3] =	stream.linear.scatter [tilespmem:s28], [sflag:$0x1], $0x80, $0x38;
	[tilespmem:$0x1200] =	vst v63  }
0x40d: {  	s31 =	sadd.s32 $0xB70, s13;
	s30 =	sor.u32 $0x600, s14  }
0x40e: {  	[hbm4b:s31+s3] =	stream.linear.scatter [tilespmem:s30], [sflag:$0x1], $0x80, $0x38;
	[tilespmem:$0x1200] =	vst v63  }
0x40f: {  	s16 =	sadd.s32 $0xBF0, s13;
	s15 =	sor.u32 $0x700, s14  }
0x410: {  	[hbm4b:s16+s3] =	stream.linear.scatter [tilespmem:s15], [sflag:$0x1], $0x80, $0x38;
	[tilespmem:$0x1200] =	vst v63  }
0x411: {  	s17 =	sor.u32 $0x800, s14;
	s18 =	sadd.s32 $0xC70, s13  }
0x412: {  	[hbm4b:s18+s3] =	stream.linear.scatter [tilespmem:s17], [sflag:$0x1], $0x80, $0x38;
	[tilespmem:$0x1200] =	vst v63  }
0x413: {  	s19 =	sor.u32 $0x900, s14;
	s20 =	sadd.s32 $0xCF0, s13  }
0x414: {  	[hbm4b:s20+s3] =	stream.linear.scatter [tilespmem:s19], [sflag:$0x1], $0x80, $0x38;
	[tilespmem:$0x1200] =	vst v63  }
0x415: {  	s21 =	sor.u32 $0xA00, s14;
	s22 =	sadd.s32 $0xD70, s13  }
0x416: {  	[hbm4b:s22+s3] =	stream.linear.scatter [tilespmem:s21], [sflag:$0x1], $0x80, $0x38;
	[tilespmem:$0x1200] =	vst v63  }
0x417: {  	s23 =	sor.u32 $0xB00, s14;
	s24 =	sadd.s32 $0xDF0, s13  }
0x418: {  	[hbm4b:s24+s3] =	stream.linear.scatter [tilespmem:s23], [sflag:$0x1], $0x80, $0x38;
	[tilespmem:$0x1200] =	vst v63  }
0x419: {  	p0 =	sne.s32 s11, $0x1F000;
	s25 =	sor.u32 $0xC00, s14;
	s26 =	sadd.s32 $0xE70, s13  }
0x41a: {  	[hbm4b:s26+s3] =	stream.linear.scatter [tilespmem:s25], [sflag:$0x1], $0x80, $0x38;
	[tilespmem:$0x1200] =	vst v63  }
.Ltmp0:
0x41b: {  	s11 =	sadd.s32 $0x1000, s11;
	s12 =	sadd.s32 $0x10, s12;
	(pc) =	sbr.rel @p0 .LBB2_2-.Ltmp0, $4  }
0x41c: {  	s28 =	sor.u32 $0xD00, s14;
	s29 =	sadd.s32 $0xEF0, s13;
	s30 =	sor.u32 $0xE00, s14  }
0x41d: {  	[hbm4b:s29+s3] =	stream.linear.scatter [tilespmem:s28], [sflag:$0x1], $0x80, $0x38;
	[tilespmem:$0x1200] =	vst v63  }
0x41e: {  	s31 =	sadd.s32 $0xF70, s13;
	s14 =	sor.u32 $0xF00, s14;
	s13 =	sadd.s32 $0xFF0, s13  }
0x41f: {  	[hbm4b:s31+s3] =	stream.linear.scatter [tilespmem:s30], [sflag:$0x1], $0x80, $0x38;
	[tilespmem:$0x1200] =	vst v63  }
0x420: {  	s10 =	sadd.s32 $0x1, s10  }
0x421: {  	p0 =	sne.s32 s10, s5  }
.Ltmp1:
0x422: {  	_ = 	snop;
	(pc) =	sbr.rel @p0 .LBB2_1-.Ltmp1, $4  }
0x423: {  	[hbm4b:s13+s3] =	stream.linear.scatter [tilespmem:s14], [sflag:$0x1], $0x80, $0x38;
	[tilespmem:$0x1200] =	vst v63  }
0x424: {  	_ =	swait.ge [sflag:s9], $0x20000  }
0x425: {  	[sflag:s9] =	ssyncset.done $0x0  }
0x426: {  	[sflag:s9] =	ssyncadd.s32 $0xFFFE0000  }
0x427: {  	_ =	sfence.sel $0x180000  }
0x428: {  	[bflag:$0x0] =	sbarrier.arrive $0xFFFF  }
0x429: {  	_ =	strace $0x90000047  }
0x42a: {  	[bflag:$0x2] =	sbarrier.arrive $0xFFFF  }
0x42b: {  	p0 =	sne.s32 s2, $0x0;
	s0 =	rddreg [dreg:$0x3]  }
0x42c: {  	s0 =	sadd.s32 @!p0 $0x100000, s0  }
0x42d: {  	[sflag:s0] =	ssyncadd.tile.s32 @!p0 $0x1;
	_ =	shalt  }
.Lfunc_end2:
_tile_overlayer_lowered:
.L_overlay_start_2:
0x42e: {  	(tag) =	ssettag $0x2  }
0x42f: {  	s0 =	rddreg [dreg:$0x0];
	s2 =	stileid.u32  }
0x430: {  	s1 =	rddreg [dreg:$0x1];
	p0 =	sne.s32 s2, $0x0  }
0x431: {  	s3 =	rddreg [dreg:$0x2];
	[bflag:$0x3] =	sbarrier.arrive $0xFFFF;
	s2 =	simm.s32 @!p0 $0x1C03  }
0x432: {  	[timem:s3], [sflag:s2] =	dma.local @!p0 [hbm:s0], s1  }
0x433: {  	s0 =	simm.s32 @!p0 $0x3  }
0x434: {  	_ =	swait.ge @!p0 [sflag:s0], s1  }
0x435: {  	s1 =	ssub.s32 @!p0 $0x0, s1;
	[sflag:s0] =	ssyncset.done @!p0 $0x0  }
0x436: {  	[sflag:s0] =	ssyncadd.s32 @!p0 s1  }
0x437: {  	[bflag:$0x3] =	sbarrier.arrive $0xFFFF  }
0x438: {  	_ =	shalt  }

</sc_bundles>
